<compile_context>
chip_gen: v7x
topology: tpu7x:2x2x1
jax: 0.10.2.dev20260603
libtpu: 0.0.44.dev20260713+nightly
codegen_flags: <defaults>
</compile_context>

<pallas_src>
import functools
import math

import jax
import jax.numpy as jnp
from jax.experimental import pallas as pl
from jax.experimental.pallas import tpu as pltpu

N = 256
C_S, C_Z, C_RBF, C_GATE = 384, 128, 64, 16
C_HID, C_MUL, H, TRANS_N = 32, 128, 4, 4
K_NB, K_LIN = 32, 8
K = K_NB + K_LIN
INF = 1e9
BI = 16
_F32 = jnp.float32


def _ln2d(x, g, b, eps=1e-5):
    m = jnp.mean(x, axis=-1, keepdims=True)
    v = jnp.mean((x - m) ** 2, axis=-1, keepdims=True)
    return (x - m) / jnp.sqrt(v + eps) * g + b


def _mm(a, b):
    return jax.lax.dot_general(a, b, (((1,), (0,)), ((), ())),
                               preferred_element_type=_F32)


def _dot(a, b, ca, cb):
    return jax.lax.dot_general(a, b, (((ca,), (cb,)), ((), ())),
                               preferred_element_type=_F32)


def _pre_kernel(s_ref, cs_ref, cst_ref, plw_ref, plb_ref, prw_ref, prb_ref,
                gw2_ref, right_ref, t_ref, dm_ref, idx_ref):
    s = s_ref[...]
    left = _mm(s, plw_ref[...]) + plb_ref[...]
    right = _mm(s, prw_ref[...]) + prb_ref[...]
    right_ref[...] = right
    t_ref[...] = _mm(left, gw2_ref[...])
    cs = cs_ref[...]
    cst = cst_ref[...]
    dx = cs[:, 0:1] - cst[0:1, :]
    dy = cs[:, 1:2] - cst[1:2, :]
    dz = cs[:, 2:3] - cst[2:3, :]
    dm = jnp.sqrt(dx * dx + dy * dy + dz * dz + 1e-12)
    dm_ref[...] = dm
    ii = jax.lax.broadcasted_iota(jnp.int32, (N, N), 0)
    jj = jax.lax.broadcasted_iota(jnp.int32, (N, N), 1)
    off = jnp.abs(ii - jj)
    d = jnp.where(off == 0, INF, dm)
    d = jnp.where((off >= 1) & (off <= K_LIN // 2), 0.0, d)
    lane = jax.lax.broadcasted_iota(jnp.int32, (N, K), 1)

    def body(t, carry):
        d_c, idx_c = carry
        m = jnp.min(d_c, axis=1, keepdims=True)
        am = jnp.min(jnp.where(d_c == m, jj, jnp.int32(1 << 30)),
                     axis=1, keepdims=True)
        idx_c = jnp.where(lane == t, am, idx_c)
        d_c = jnp.where(jj == am, INF, d_c)
        return d_c, idx_c

    _, idx = jax.lax.fori_loop(
        0, K, body, (d, jnp.zeros((N, K), jnp.int32)))
    idx_ref[...] = idx


def _stage1_kernel(t_ref, right_ref, dm_ref, z_ref, gateb_ref, rbfw_ref,
                   rbfb_ref, biasw_ref, ln1g_ref, ln1b_ref, apw_ref, apb_ref,
                   agw_ref, agb_ref, bpw_ref, bpb_ref, bgw_ref, bgb_ref,
                   gw_ref, gb_ref,
                   z1_ref, tb_ref, a_ref, b_ref, g_ref):
    right = right_ref[...]
    glog = jnp.stack(
        [_mm(right, t_ref[i]) for i in range(BI)], axis=0)
    gate = jax.nn.sigmoid(glog + gateb_ref[...])
    d_ang = dm_ref[...] * 10.0
    centers = jax.lax.broadcasted_iota(
        jnp.int32, (1, 1, C_RBF), 2).astype(_F32) * (20.0 / (C_RBF - 1))
    inv = 1.0 / (2.0 * (20.0 / C_RBF) ** 2)
    feats = jnp.exp(-((d_ang[:, :, None] - centers) ** 2) * inv)
    rbf = _mm(feats.reshape(BI * N, C_RBF), rbfw_ref[...]) + rbfb_ref[...]
    z1 = (z_ref[...] + rbf.reshape(BI, N, C_Z)) * gate
    z1_ref[...] = z1
    z1f = z1.reshape(BI * N, C_Z)
    tb_ref[...] = _mm(z1f, biasw_ref[...]).reshape(BI, N, H)
    zl = _ln2d(z1f, ln1g_ref[...], ln1b_ref[...])
    a = jax.nn.sigmoid(_mm(zl, agw_ref[...]) + agb_ref[...]) * (
        _mm(zl, apw_ref[...]) + apb_ref[...])
    b = jax.nn.sigmoid(_mm(zl, bgw_ref[...]) + bgb_ref[...]) * (
        _mm(zl, bpw_ref[...]) + bpb_ref[...])
    g = jax.nn.sigmoid(_mm(zl, gw_ref[...]) + gb_ref[...])
    a_ref[...] = a.reshape(BI, N, C_Z)
    b_ref[...] = b.reshape(BI, N, C_Z)
    g_ref[...] = g.reshape(BI, N, C_Z)


def _tri_kernel(a_ref, b_ref, x_ref, *, outgoing):
    a = a_ref[...].reshape(N, N)
    b = b_ref[...].reshape(N, N)
    if outgoing:
        x = _dot(a, b, 1, 1)
    else:
        x = _dot(a, b, 0, 0)
    x_ref[...] = x[None]


def _stage2_kernel(x_ref, z1_ref, g1_ref, ln2g_ref, ln2b_ref, ow_ref, ob_ref,
                   iln1g_ref, iln1b_ref, iapw_ref, iapb_ref, iagw_ref,
                   iagb_ref, ibpw_ref, ibpb_ref, ibgw_ref, ibgb_ref,
                   igw_ref, igb_ref,
                   z2_ref, a_ref, b_ref, g_ref):
    x = _ln2d(x_ref[...].reshape(BI * N, C_Z), ln2g_ref[...], ln2b_ref[...])
    out1 = g1_ref[...].reshape(BI * N, C_Z) * (_mm(x, ow_ref[...]) + ob_ref[...])
    z2 = z1_ref[...] + out1.reshape(BI, N, C_Z)
    z2_ref[...] = z2
    zl = _ln2d(z2.reshape(BI * N, C_Z), iln1g_ref[...], iln1b_ref[...])
    a = jax.nn.sigmoid(_mm(zl, iagw_ref[...]) + iagb_ref[...]) * (
        _mm(zl, iapw_ref[...]) + iapb_ref[...])
    b = jax.nn.sigmoid(_mm(zl, ibgw_ref[...]) + ibgb_ref[...]) * (
        _mm(zl, ibpw_ref[...]) + ibpb_ref[...])
    g = jax.nn.sigmoid(_mm(zl, igw_ref[...]) + igb_ref[...])
    a_ref[...] = a.reshape(BI, N, C_Z)
    b_ref[...] = b.reshape(BI, N, C_Z)
    g_ref[...] = g.reshape(BI, N, C_Z)


def _local_attn_block(z3, tb, idx, plng, plnb, wqkvg, bqkvg, wo, bo):
    zl = _ln2d(z3.reshape(BI * N, C_Z), plng, plnb)
    proj = _mm(zl, wqkvg) + bqkvg
    cat = jnp.concatenate(
        [proj[:, :3 * C_Z],
         jax.nn.sigmoid(proj[:, 3 * C_Z:]),
         tb.reshape(BI * N, H)], axis=1).reshape(BI, N, 3 * C_Z + C_Z + H)
    jcol = jax.lax.broadcasted_iota(jnp.int32, (N, 1), 0)
    ones_col = jnp.full((K, 1), 1.0, _F32)
    rows = []
    for i in range(BI):
        oht = (idx[i:i + 1, :] == jcol).astype(_F32)
        gat = _dot(oht, cat[i], 0, 0)
        q = gat[:, 0:C_Z]
        kk = gat[:, C_Z:2 * C_Z]
        v = gat[:, 2 * C_Z:3 * C_Z]
        gp = gat[:, 3 * C_Z:4 * C_Z]
        tbg = gat[:, 4 * C_Z:4 * C_Z + H]
        outs = []
        for h in range(H):
            sl = slice(h * C_HID, (h + 1) * C_HID)
            q_aug = jnp.concatenate([q[:, sl], ones_col], axis=1)
            k_aug = jnp.concatenate([kk[:, sl], tbg[:, h:h + 1]], axis=1)
            lg = _dot(q_aug, k_aug, 1, 1)
            m = jnp.max(lg, axis=1, keepdims=True)
            p = jnp.exp(lg - m)
            p = p / jnp.sum(p, axis=1, keepdims=True)
            outs.append(_mm(p, v[:, sl]))
        o = jnp.concatenate(outs, axis=1) * gp
        att = _mm(o, wo) + bo
        rows.append(z3[i] + _dot(oht, att, 1, 0))
    return jnp.stack(rows, axis=0)


def _stage3_kernel(x_ref, z2_ref, g2_ref, idx_ref, tb_ref, ln2g_ref, ln2b_ref,
                   ow_ref, ob_ref, plng_ref, plnb_ref, wqkvg_ref, bqkvg_ref,
                   wo_ref, bo_ref, z4_ref):
    x = _ln2d(x_ref[...].reshape(BI * N, C_Z), ln2g_ref[...], ln2b_ref[...])
    out2 = g2_ref[...].reshape(BI * N, C_Z) * (_mm(x, ow_ref[...]) + ob_ref[...])
    z3 = z2_ref[...] + out2.reshape(BI, N, C_Z)
    z4_ref[...] = _local_attn_block(
        z3, tb_ref[...], idx_ref[...], plng_ref[...], plnb_ref[...],
        wqkvg_ref[...], bqkvg_ref[...], wo_ref[...], bo_ref[...])


def _mhae_kernel(zt_ref, tbt_ref, idx_ref, plng_ref, plnb_ref, wqkvg_ref,
                 bqkvg_ref, wo_ref, bo_ref, ptg_ref, ptb_ref,
                 w1_ref, b1_ref, w2_ref, b2_ref, out_ref):
    z5 = _local_attn_block(
        zt_ref[...], tbt_ref[...], idx_ref[...], plng_ref[...], plnb_ref[...],
        wqkvg_ref[...], bqkvg_ref[...], wo_ref[...], bo_ref[...])
    zl = _ln2d(z5.reshape(BI * N, C_Z), ptg_ref[...], ptb_ref[...])
    hid = jnp.maximum(_mm(zl, w1_ref[...]) + b1_ref[...], 0.0)
    z6 = z5 + (_mm(hid, w2_ref[...]) + b2_ref[...]).reshape(BI, N, C_Z)
    out_ref[...] = z6


def _r2(v):
    return v.reshape(1, -1)


def kernel(s, z, coords, mask, params):
    del mask
    p = params
    s2 = s[0]
    z2 = z[0]
    cs = coords[0]
    cst = cs.T
    gw2 = p["gate_w"].reshape(C_GATE, C_GATE * C_Z)

    right, t, dm, idx = pl.pallas_call(
        _pre_kernel,
        out_shape=(
            jax.ShapeDtypeStruct((N, C_GATE), _F32),
            jax.ShapeDtypeStruct((N, C_GATE * C_Z), _F32),
            jax.ShapeDtypeStruct((N, N), _F32),
            jax.ShapeDtypeStruct((N, K), jnp.int32),
        ),
    )(s2, cs, cst, p["pl_w"], _r2(p["pl_b"]), p["pr_w"], _r2(p["pr_b"]), gw2)

    t4 = t.reshape(N, C_GATE, C_Z)
    nb = N // BI
    row_blk = lambda i: (i, 0, 0)
    full2 = pl.BlockSpec((N, C_GATE), lambda i: (0, 0))
    zspec = pl.BlockSpec((BI, N, C_Z), row_blk)
    wspec = lambda r, c: pl.BlockSpec((r, c), lambda i: (0, 0))
    w128 = wspec(C_Z, C_Z)
    b128 = wspec(1, C_Z)

    tmo, tmi = p["tmo"], p["tmi"]
    z1, tb, a1, b1_, g1 = pl.pallas_call(
        _stage1_kernel,
        grid=(nb,),
        in_specs=[
            pl.BlockSpec((BI, C_GATE, C_Z), row_blk),
            full2,
            pl.BlockSpec((BI, N), lambda i: (i, 0)),
            zspec,
            b128, wspec(C_RBF, C_Z), b128, wspec(C_Z, H),
            b128, b128, w128, b128, w128, b128, w128, b128, w128, b128,
            w128, b128,
        ],
        out_specs=(zspec, pl.BlockSpec((BI, N, H), row_blk), zspec, zspec,
                   zspec),
        out_shape=(
            jax.ShapeDtypeStruct((N, N, C_Z), _F32),
            jax.ShapeDtypeStruct((N, N, H), _F32),
            jax.ShapeDtypeStruct((N, N, C_Z), _F32),
            jax.ShapeDtypeStruct((N, N, C_Z), _F32),
            jax.ShapeDtypeStruct((N, N, C_Z), _F32),
        ),
    )(t4, right, dm, z2, _r2(p["gate_b"]), p["rbf_w"], _r2(p["rbf_b"]),
      p["bias_w"], _r2(tmo["ln1_g"]), _r2(tmo["ln1_b"]),
      tmo["ap_w"], _r2(tmo["ap_b"]), tmo["ag_w"], _r2(tmo["ag_b"]),
      tmo["bp_w"], _r2(tmo["bp_b"]), tmo["bg_w"], _r2(tmo["bg_b"]),
      tmo["g_w"], _r2(tmo["g_b"]))

    def tri(a, b, outgoing):
        at = jnp.transpose(a, (2, 0, 1))
        bt = jnp.transpose(b, (2, 0, 1))
        cspec = pl.BlockSpec((1, N, N), lambda c: (c, 0, 0))
        xt = pl.pallas_call(
            functools.partial(_tri_kernel, outgoing=outgoing),
            grid=(C_Z,),
            in_specs=[cspec, cspec],
            out_specs=cspec,
            out_shape=jax.ShapeDtypeStruct((C_Z, N, N), _F32),
        )(at, bt)
        return jnp.transpose(xt, (1, 2, 0))

    x1 = tri(a1, b1_, True)

    z2_, a2, b2_, g2 = pl.pallas_call(
        _stage2_kernel,
        grid=(nb,),
        in_specs=[zspec, zspec, zspec,
                  b128, b128, w128, b128,
                  b128, b128, w128, b128, w128, b128, w128, b128, w128, b128,
                  w128, b128],
        out_specs=(zspec, zspec, zspec, zspec),
        out_shape=tuple(jax.ShapeDtypeStruct((N, N, C_Z), _F32)
                        for _ in range(4)),
    )(x1, z1, g1, _r2(tmo["ln2_g"]), _r2(tmo["ln2_b"]), tmo["o_w"],
      _r2(tmo["o_b"]), _r2(tmi["ln1_g"]), _r2(tmi["ln1_b"]),
      tmi["ap_w"], _r2(tmi["ap_b"]), tmi["ag_w"], _r2(tmi["ag_b"]),
      tmi["bp_w"], _r2(tmi["bp_b"]), tmi["bg_w"], _r2(tmi["bg_b"]),
      tmi["g_w"], _r2(tmi["g_b"]))

    x2 = tri(a2, b2_, False)
    return (x2 + z2_)[None]

    ms, me, pt = p["mha_s"], p["mha_e"], p["pt"]
    ispec = pl.BlockSpec((BI, K), lambda i: (i, 0))
    tbspec = pl.BlockSpec((BI, N, H), row_blk)
    scale = 1.0 / math.sqrt(C_HID)

    def qkvg(mp):
        w = jnp.concatenate([mp["wq"] * scale, mp["wk"], mp["wv"], mp["wg"]],
                            axis=1)
        b = jnp.concatenate([jnp.zeros((3 * H * C_HID,), _F32), mp["bg"]])
        return w, b.reshape(1, -1)

    wqkvg_s, bqkvg_s = qkvg(ms)
    wqkvg_e, bqkvg_e = qkvg(me)
    wcat = wspec(C_Z, 4 * C_Z)
    bcat = wspec(1, 4 * C_Z)

    z4 = pl.pallas_call(
        _stage3_kernel,
        grid=(nb,),
        in_specs=[zspec, zspec, zspec, ispec, tbspec,
                  b128, b128, w128, b128,
                  b128, b128, wcat, bcat, w128, b128],
        out_specs=zspec,
        out_shape=jax.ShapeDtypeStruct((N, N, C_Z), _F32),
    )(x2, z2_, g2, idx, tb, _r2(tmi["ln2_g"]), _r2(tmi["ln2_b"]),
      tmi["o_w"], _r2(tmi["o_b"]), _r2(p["ln_g"]), _r2(p["ln_b"]),
      wqkvg_s, bqkvg_s, ms["wo"], _r2(ms["bo"]))

    z4t = jnp.transpose(z4, (1, 0, 2))
    tbt = jnp.transpose(tb, (1, 0, 2))

    z6t = pl.pallas_call(
        _mhae_kernel,
        grid=(nb,),
        in_specs=[zspec, tbspec, ispec,
                  b128, b128, wcat, bcat, w128, b128,
                  b128, b128, wspec(C_Z, TRANS_N * C_Z),
                  wspec(1, TRANS_N * C_Z), wspec(TRANS_N * C_Z, C_Z), b128],
        out_specs=zspec,
        out_shape=jax.ShapeDtypeStruct((N, N, C_Z), _F32),
    )(z4t, tbt, idx, _r2(p["ln_g"]), _r2(p["ln_b"]),
      wqkvg_e, bqkvg_e, me["wo"], _r2(me["bo"]),
      _r2(pt["ln_g"]), _r2(pt["ln_b"]), pt["w1"],
      _r2(pt["b1"]), pt["w2"], _r2(pt["b2"]))

    return jnp.transpose(z6t, (1, 0, 2))[None]

# --- scband reference (transcript-rebuilt; emitter-appended) ---
"""Pipeline reference for scband-local-triangle-attention-new-71279277244716 (READ-ONLY COPY).

The authoritative reference and input builder live on the scoring server;
editing this copy changes nothing except your own understanding.
"""

import jax, jax.numpy as jnp
import numpy as np

B, N = 1, 256
C_S, C_Z, C_RBF, C_GATE = 384, 128, 64, 16
C_HID, C_MUL, H, TRANS_N = 32, 128, 4, 4
K_NB, K_LIN = 32, 8
INF = 1e9
NM_TO_ANG = 10.0

def _ln(x, g, b, eps=1e-5):
    m = jnp.mean(x, axis=-1, keepdims=True)
    v = jnp.mean((x - m) ** 2, axis=-1, keepdims=True)
    return (x - m) / jnp.sqrt(v + eps) * g + b

def _tri_mul_params(w, c_z, c_mul):
    return {"ln1_g": jnp.ones((c_z,)), "ln1_b": jnp.zeros((c_z,)),
            "ap_w": w((c_z, c_mul)), "ap_b": jnp.zeros((c_mul,)),
            "ag_w": w((c_z, c_mul)), "ag_b": jnp.ones((c_mul,)),
            "bp_w": w((c_z, c_mul)), "bp_b": jnp.zeros((c_mul,)),
            "bg_w": w((c_z, c_mul)), "bg_b": jnp.ones((c_mul,)),
            "ln2_g": jnp.ones((c_mul,)), "ln2_b": jnp.zeros((c_mul,)),
            "g_w": w((c_z, c_z)), "g_b": jnp.ones((c_z,)),
            "o_w": w((c_mul, c_z)), "o_b": jnp.zeros((c_z,))}

def _mha_params(w):
    return {"wq": w((C_Z, H * C_HID)), "wk": w((C_Z, H * C_HID)), "wv": w((C_Z, H * C_HID)),
            "wg": w((C_Z, H * C_HID)), "bg": jnp.ones((H * C_HID,)),
            "wo": w((H * C_HID, C_Z)), "bo": jnp.zeros((C_Z,))}

def setup_inputs(seed: int = 0):
    key = jax.random.key(seed)
    keys = iter(jax.random.split(key, 64))
    def w(shape, scale=0.02):
        return jax.random.normal(next(keys), shape, jnp.float32) * scale
    params = {
        "pl_w": w((C_S, C_GATE)), "pl_b": jnp.zeros((C_GATE,)),
        "pr_w": w((C_S, C_GATE)), "pr_b": jnp.zeros((C_GATE,)),
        "gate_w": w((C_GATE * C_GATE, C_Z)), "gate_b": jnp.ones((C_Z,)),
        "rbf_w": w((C_RBF, C_Z)), "rbf_b": jnp.zeros((C_Z,)),
        "bias_w": w((C_Z, H)),
        "tmo": _tri_mul_params(w, C_Z, C_MUL),
        "tmi": _tri_mul_params(w, C_Z, C_MUL),
        "mha_s": _mha_params(w),
        "mha_e": _mha_params(w),
        "ln_g": jnp.ones((C_Z,)), "ln_b": jnp.zeros((C_Z,)),
        "pt": {"ln_g": jnp.ones((C_Z,)), "ln_b": jnp.zeros((C_Z,)),
                "w1": w((C_Z, TRANS_N * C_Z)), "b1": jnp.zeros((TRANS_N * C_Z,)),
                "w2": w((TRANS_N * C_Z, C_Z)), "b2": jnp.zeros((C_Z,))},
    }
    s = jax.random.normal(next(keys), (B, N, C_S), jnp.float32)
    z = jax.random.normal(next(keys), (B, N, N, C_Z), jnp.float32)
    coords = jax.random.normal(next(keys), (B, N, 3), jnp.float32)
    mask = jnp.ones((B, N, N), jnp.float32)
    return {"s": s, "z": z, "coords": coords, "mask": mask, "params": params}

def _knn_indices(coords, mask):
    n = coords.shape[1]
    diff = coords[:, :, None, :] - coords[:, None, :, :]
    d = jnp.sqrt(jnp.sum(diff * diff, axis=-1) + 1e-12)
    ar = jnp.arange(n)
    off = jnp.abs(ar[:, None] - ar[None, :])
    d = jnp.where(off == 0, INF, d)
    d = jnp.where((off >= 1) & (off <= K_LIN // 2), 0.0, d)
    d = d + INF * (1.0 - mask)
    _, idx = jax.lax.top_k(-d, K_NB + K_LIN)
    return idx

def _attention(x, mask_bias, tri_bias, p):
    sh = x.shape
    q = (x @ p["wq"]).reshape(sh[:-1] + (H, C_HID)) / jnp.sqrt(C_HID)
    k = (x @ p["wk"]).reshape(sh[:-1] + (H, C_HID))
    v = (x @ p["wv"]).reshape(sh[:-1] + (H, C_HID))
    logits = jnp.einsum("bnqhc,bnkhc->bnhqk", q, k) + mask_bias + tri_bias
    a = jax.nn.softmax(logits, axis=-1)
    o = jnp.einsum("bnhqk,bnkhc->bnqhc", a, v)
    g = jax.nn.sigmoid(x @ p["wg"] + p["bg"]).reshape(sh[:-1] + (H, C_HID))
    o = (o * g).reshape(sh[:-1] + (H * C_HID,))
    return o @ p["wo"] + p["bo"]

def _local_mha(z, coords, tri_bias, mask, p, mp, starting):
    if not starting:
        z = jnp.swapaxes(z, 1, 2)
        tri_bias = jnp.swapaxes(tri_bias, 1, 2)
        mask = jnp.swapaxes(mask, 1, 2)
    idx = _knn_indices(coords, mask)
    K = K_NB + K_LIN
    idx_d = jnp.broadcast_to(idx[..., None], idx.shape + (z.shape[-1],))
    xg = jnp.take_along_axis(z, idx_d, axis=2)
    xg = _ln(xg, p["ln_g"], p["ln_b"])
    mg = jnp.take_along_axis(mask, idx, axis=2)
    mask_bias = (INF * (mg - 1.0))[:, :, None, None, :]
    idx_h = jnp.broadcast_to(idx[..., None], idx.shape + (tri_bias.shape[-1],))
    tbg = jnp.take_along_axis(tri_bias, idx_h, axis=2)
    tb = jnp.transpose(tbg, (0, 1, 3, 2))[:, :, :, None, :]
    out = _attention(xg, mask_bias, tb, mp)
    b_idx = jnp.arange(z.shape[0])[:, None, None]
    i_idx = jnp.arange(z.shape[1])[None, :, None]
    res = jnp.zeros_like(z).at[b_idx, i_idx, idx].set(out)
    if not starting:
        res = jnp.swapaxes(res, 1, 2)
    return res

def _tri_mul(z, mask, p, outgoing):
    zl = _ln(z, p["ln1_g"], p["ln1_b"])
    m = mask[..., None]
    a = jax.nn.sigmoid(zl @ p["ag_w"] + p["ag_b"]) * (zl @ p["ap_w"] + p["ap_b"]) * m
    b = jax.nn.sigmoid(zl @ p["bg_w"] + p["bg_b"]) * (zl @ p["bp_w"] + p["bp_b"]) * m
    if outgoing:
        x = jnp.einsum("bikc,bjkc->bijc", a, b)
    else:
        x = jnp.einsum("bkic,bkjc->bijc", a, b)
    x = _ln(x, p["ln2_g"], p["ln2_b"])
    g = jax.nn.sigmoid(zl @ p["g_w"] + p["g_b"])
    return g * (x @ p["o_w"] + p["o_b"])

def _forward(s, z, coords, mask, p):
    left = s @ p["pl_w"] + p["pl_b"]
    right = s @ p["pr_w"] + p["pr_b"]
    outer = left[:, :, None, :, None] * right[:, None, :, None, :]
    outer = outer.reshape(outer.shape[:3] + (C_GATE * C_GATE,))
    gate = jax.nn.sigmoid(outer @ p["gate_w"] + p["gate_b"])
    diff = coords[:, :, None, :] - coords[:, None, :, :]
    d = jnp.sqrt(jnp.sum(diff * diff, axis=-1) + 1e-12) * NM_TO_ANG
    centers = jnp.linspace(0.0, 20.0, C_RBF)
    rbf = jnp.exp(-((d[..., None] - centers) ** 2) / (2.0 * (20.0 / C_RBF) ** 2))
    z = z + rbf @ p["rbf_w"] + p["rbf_b"]
    z = z * gate
    tb = z @ p["bias_w"]
    z = z + _tri_mul(z, mask, p["tmo"], True)
    z = z + _tri_mul(z, mask, p["tmi"], False)
    z = z + _local_mha(z, coords, tb, mask, p, p["mha_s"], True)
    z = z + _local_mha(z, coords, tb, mask, p, p["mha_e"], False)
    zl = _ln(z, p["pt"]["ln_g"], p["pt"]["ln_b"])
    z = z + jax.nn.relu(zl @ p["pt"]["w1"] + p["pt"]["b1"]) @ p["pt"]["w2"] + p["pt"]["b2"]
    return z

def reference(s, z, coords, mask, params):
    return _forward(s, z, coords, mask, params)

if __name__ == "__main__":
    import jax
    _d = setup_inputs()
    print(jax.jit(kernel)(*tuple(_d.values())))

</pallas_src>

<mosaic_0001>
module attributes {stable_mosaic.version = 14 : i64} {
  func.func @_stage1_kernel(%arg0: i32, %arg1: memref<16x16x128xf32, #tpu.memory_space<vmem>>, %arg2: memref<256x16xf32, #tpu.memory_space<vmem>>, %arg3: memref<16x256xf32, #tpu.memory_space<vmem>>, %arg4: memref<16x256x128xf32, #tpu.memory_space<vmem>>, %arg5: memref<1x128xf32, #tpu.memory_space<vmem>>, %arg6: memref<64x128xf32, #tpu.memory_space<vmem>>, %arg7: memref<1x128xf32, #tpu.memory_space<vmem>>, %arg8: memref<128x4xf32, #tpu.memory_space<vmem>>, %arg9: memref<1x128xf32, #tpu.memory_space<vmem>>, %arg10: memref<1x128xf32, #tpu.memory_space<vmem>>, %arg11: memref<128x128xf32, #tpu.memory_space<vmem>>, %arg12: memref<1x128xf32, #tpu.memory_space<vmem>>, %arg13: memref<128x128xf32, #tpu.memory_space<vmem>>, %arg14: memref<1x128xf32, #tpu.memory_space<vmem>>, %arg15: memref<128x128xf32, #tpu.memory_space<vmem>>, %arg16: memref<1x128xf32, #tpu.memory_space<vmem>>, %arg17: memref<128x128xf32, #tpu.memory_space<vmem>>, %arg18: memref<1x128xf32, #tpu.memory_space<vmem>>, %arg19: memref<128x128xf32, #tpu.memory_space<vmem>>, %arg20: memref<1x128xf32, #tpu.memory_space<vmem>>, %arg21: memref<16x256x128xf32, #tpu.memory_space<vmem>>, %arg22: memref<16x256x4xf32, #tpu.memory_space<vmem>>, %arg23: memref<16x256x128xf32, #tpu.memory_space<vmem>>, %arg24: memref<16x256x128xf32, #tpu.memory_space<vmem>>, %arg25: memref<16x256x128xf32, #tpu.memory_space<vmem>>) attributes {dimension_semantics = [#tpu.dimension_semantics<arbitrary>], iteration_bounds = array<i64: 16>, scalar_prefetch = 0 : i64, scratch_operands = 0 : i64, tpu.core_type = #tpu.core_type<tc>, window_params = [{transform_indices = @transform_0, window_bounds = array<i64: 16, 16, 128>}, {pipeline_mode = #tpu.pipeline_mode<synchronous>, transform_indices = @transform_1, window_bounds = array<i64: 256, 16>}, {transform_indices = @transform_2, window_bounds = array<i64: 16, 256>}, {transform_indices = @transform_3, window_bounds = array<i64: 16, 256, 128>}, {pipeline_mode = #tpu.pipeline_mode<synchronous>, transform_indices = @transform_4, window_bounds = array<i64: 1, 128>}, {pipeline_mode = #tpu.pipeline_mode<synchronous>, transform_indices = @transform_5, window_bounds = array<i64: 64, 128>}, {pipeline_mode = #tpu.pipeline_mode<synchronous>, transform_indices = @transform_6, window_bounds = array<i64: 1, 128>}, {pipeline_mode = #tpu.pipeline_mode<synchronous>, transform_indices = @transform_7, window_bounds = array<i64: 128, 4>}, {pipeline_mode = #tpu.pipeline_mode<synchronous>, transform_indices = @transform_8, window_bounds = array<i64: 1, 128>}, {pipeline_mode = #tpu.pipeline_mode<synchronous>, transform_indices = @transform_9, window_bounds = array<i64: 1, 128>}, {pipeline_mode = #tpu.pipeline_mode<synchronous>, transform_indices = @transform_10, window_bounds = array<i64: 128, 128>}, {pipeline_mode = #tpu.pipeline_mode<synchronous>, transform_indices = @transform_11, window_bounds = array<i64: 1, 128>}, {pipeline_mode = #tpu.pipeline_mode<synchronous>, transform_indices = @transform_12, window_bounds = array<i64: 128, 128>}, {pipeline_mode = #tpu.pipeline_mode<synchronous>, transform_indices = @transform_13, window_bounds = array<i64: 1, 128>}, {pipeline_mode = #tpu.pipeline_mode<synchronous>, transform_indices = @transform_14, window_bounds = array<i64: 128, 128>}, {pipeline_mode = #tpu.pipeline_mode<synchronous>, transform_indices = @transform_15, window_bounds = array<i64: 1, 128>}, {pipeline_mode = #tpu.pipeline_mode<synchronous>, transform_indices = @transform_16, window_bounds = array<i64: 128, 128>}, {pipeline_mode = #tpu.pipeline_mode<synchronous>, transform_indices = @transform_17, window_bounds = array<i64: 1, 128>}, {pipeline_mode = #tpu.pipeline_mode<synchronous>, transform_indices = @transform_18, window_bounds = array<i64: 128, 128>}, {pipeline_mode = #tpu.pipeline_mode<synchronous>, transform_indices = @transform_19, window_bounds = array<i64: 1, 128>}, {transform_indices = @transform_20, window_bounds = array<i64: 16, 256, 128>}, {transform_indices = @transform_21, window_bounds = array<i64: 16, 256, 4>}, {transform_indices = @transform_22, window_bounds = array<i64: 16, 256, 128>}, {transform_indices = @transform_23, window_bounds = array<i64: 16, 256, 128>}, {transform_indices = @transform_24, window_bounds = array<i64: 16, 256, 128>}]} {
    %get3A = arith.constant 0 : index
    %get3A_0 = arith.constant 0 : index
    %get3A_1 = vector.load %arg2[%get3A, %get3A_0] : memref<256x16xf32, #tpu.memory_space<vmem>>, vector<256x16xf32>
    %get3A_2 = arith.constant 0 : index
    %get3A_3 = arith.constant 0 : index
    %get3A_4 = arith.constant 0 : index
    %get3A_5 = vector.load %arg1[%get3A_2, %get3A_3, %get3A_4] : memref<16x16x128xf32, #tpu.memory_space<vmem>>, vector<1x16x128xf32>
    %get3A_6 = vector.shape_cast %get3A_5 : vector<1x16x128xf32> to vector<16x128xf32>
    %dot_general3A = arith.constant dense<0.000000e+00> : vector<256x128xf32>
    %dot_general3A_7 = tpu.matmul %get3A_1, %get3A_6, %dot_general3A {dimension_numbers = #tpu.dot_dimension_numbers<[1], [0], [0], [1], [0, 0, 1, 1], [], []>, transpose_lhs_hint = false} : vector<256x16xf32>, vector<16x128xf32>, vector<256x128xf32> -> vector<256x128xf32>
    %get3A_8 = arith.constant 1 : index
    %get3A_9 = arith.constant 0 : index
    %get3A_10 = arith.constant 0 : index
    %get3A_11 = vector.load %arg1[%get3A_8, %get3A_9, %get3A_10] : memref<16x16x128xf32, #tpu.memory_space<vmem>>, vector<1x16x128xf32>
    %get3A_12 = vector.shape_cast %get3A_11 : vector<1x16x128xf32> to vector<16x128xf32>
    %dot_general3A_13 = arith.constant dense<0.000000e+00> : vector<256x128xf32>
    %dot_general3A_14 = tpu.matmul %get3A_1, %get3A_12, %dot_general3A_13 {dimension_numbers = #tpu.dot_dimension_numbers<[1], [0], [0], [1], [0, 0, 1, 1], [], []>, transpose_lhs_hint = false} : vector<256x16xf32>, vector<16x128xf32>, vector<256x128xf32> -> vector<256x128xf32>
    %get3A_15 = arith.constant 2 : index
    %get3A_16 = arith.constant 0 : index
    %get3A_17 = arith.constant 0 : index
    %get3A_18 = vector.load %arg1[%get3A_15, %get3A_16, %get3A_17] : memref<16x16x128xf32, #tpu.memory_space<vmem>>, vector<1x16x128xf32>
    %get3A_19 = vector.shape_cast %get3A_18 : vector<1x16x128xf32> to vector<16x128xf32>
    %dot_general3A_20 = arith.constant dense<0.000000e+00> : vector<256x128xf32>
    %dot_general3A_21 = tpu.matmul %get3A_1, %get3A_19, %dot_general3A_20 {dimension_numbers = #tpu.dot_dimension_numbers<[1], [0], [0], [1], [0, 0, 1, 1], [], []>, transpose_lhs_hint = false} : vector<256x16xf32>, vector<16x128xf32>, vector<256x128xf32> -> vector<256x128xf32>
    %get3A_22 = arith.constant 3 : index
    %get3A_23 = arith.constant 0 : index
    %get3A_24 = arith.constant 0 : index
    %get3A_25 = vector.load %arg1[%get3A_22, %get3A_23, %get3A_24] : memref<16x16x128xf32, #tpu.memory_space<vmem>>, vector<1x16x128xf32>
    %get3A_26 = vector.shape_cast %get3A_25 : vector<1x16x128xf32> to vector<16x128xf32>
    %dot_general3A_27 = arith.constant dense<0.000000e+00> : vector<256x128xf32>
    %dot_general3A_28 = tpu.matmul %get3A_1, %get3A_26, %dot_general3A_27 {dimension_numbers = #tpu.dot_dimension_numbers<[1], [0], [0], [1], [0, 0, 1, 1], [], []>, transpose_lhs_hint = false} : vector<256x16xf32>, vector<16x128xf32>, vector<256x128xf32> -> vector<256x128xf32>
    %get3A_29 = arith.constant 4 : index
    %get3A_30 = arith.constant 0 : index
    %get3A_31 = arith.constant 0 : index
    %get3A_32 = vector.load %arg1[%get3A_29, %get3A_30, %get3A_31] : memref<16x16x128xf32, #tpu.memory_space<vmem>>, vector<1x16x128xf32>
    %get3A_33 = vector.shape_cast %get3A_32 : vector<1x16x128xf32> to vector<16x128xf32>
    %dot_general3A_34 = arith.constant dense<0.000000e+00> : vector<256x128xf32>
    %dot_general3A_35 = tpu.matmul %get3A_1, %get3A_33, %dot_general3A_34 {dimension_numbers = #tpu.dot_dimension_numbers<[1], [0], [0], [1], [0, 0, 1, 1], [], []>, transpose_lhs_hint = false} : vector<256x16xf32>, vector<16x128xf32>, vector<256x128xf32> -> vector<256x128xf32>
    %get3A_36 = arith.constant 5 : index
    %get3A_37 = arith.constant 0 : index
    %get3A_38 = arith.constant 0 : index
    %get3A_39 = vector.load %arg1[%get3A_36, %get3A_37, %get3A_38] : memref<16x16x128xf32, #tpu.memory_space<vmem>>, vector<1x16x128xf32>
    %get3A_40 = vector.shape_cast %get3A_39 : vector<1x16x128xf32> to vector<16x128xf32>
    %dot_general3A_41 = arith.constant dense<0.000000e+00> : vector<256x128xf32>
    %dot_general3A_42 = tpu.matmul %get3A_1, %get3A_40, %dot_general3A_41 {dimension_numbers = #tpu.dot_dimension_numbers<[1], [0], [0], [1], [0, 0, 1, 1], [], []>, transpose_lhs_hint = false} : vector<256x16xf32>, vector<16x128xf32>, vector<256x128xf32> -> vector<256x128xf32>
    %get3A_43 = arith.constant 6 : index
    %get3A_44 = arith.constant 0 : index
    %get3A_45 = arith.constant 0 : index
    %get3A_46 = vector.load %arg1[%get3A_43, %get3A_44, %get3A_45] : memref<16x16x128xf32, #tpu.memory_space<vmem>>, vector<1x16x128xf32>
    %get3A_47 = vector.shape_cast %get3A_46 : vector<1x16x128xf32> to vector<16x128xf32>
    %dot_general3A_48 = arith.constant dense<0.000000e+00> : vector<256x128xf32>
    %dot_general3A_49 = tpu.matmul %get3A_1, %get3A_47, %dot_general3A_48 {dimension_numbers = #tpu.dot_dimension_numbers<[1], [0], [0], [1], [0, 0, 1, 1], [], []>, transpose_lhs_hint = false} : vector<256x16xf32>, vector<16x128xf32>, vector<256x128xf32> -> vector<256x128xf32>
    %get3A_50 = arith.constant 7 : index
    %get3A_51 = arith.constant 0 : index
    %get3A_52 = arith.constant 0 : index
    %get3A_53 = vector.load %arg1[%get3A_50, %get3A_51, %get3A_52] : memref<16x16x128xf32, #tpu.memory_space<vmem>>, vector<1x16x128xf32>
    %get3A_54 = vector.shape_cast %get3A_53 : vector<1x16x128xf32> to vector<16x128xf32>
    %dot_general3A_55 = arith.constant dense<0.000000e+00> : vector<256x128xf32>
    %dot_general3A_56 = tpu.matmul %get3A_1, %get3A_54, %dot_general3A_55 {dimension_numbers = #tpu.dot_dimension_numbers<[1], [0], [0], [1], [0, 0, 1, 1], [], []>, transpose_lhs_hint = false} : vector<256x16xf32>, vector<16x128xf32>, vector<256x128xf32> -> vector<256x128xf32>
    %get3A_57 = arith.constant 8 : index
    %get3A_58 = arith.constant 0 : index
    %get3A_59 = arith.constant 0 : index
    %get3A_60 = vector.load %arg1[%get3A_57, %get3A_58, %get3A_59] : memref<16x16x128xf32, #tpu.memory_space<vmem>>, vector<1x16x128xf32>
    %get3A_61 = vector.shape_cast %get3A_60 : vector<1x16x128xf32> to vector<16x128xf32>
    %dot_general3A_62 = arith.constant dense<0.000000e+00> : vector<256x128xf32>
    %dot_general3A_63 = tpu.matmul %get3A_1, %get3A_61, %dot_general3A_62 {dimension_numbers = #tpu.dot_dimension_numbers<[1], [0], [0], [1], [0, 0, 1, 1], [], []>, transpose_lhs_hint = false} : vector<256x16xf32>, vector<16x128xf32>, vector<256x128xf32> -> vector<256x128xf32>
    %get3A_64 = arith.constant 9 : index
    %get3A_65 = arith.constant 0 : index
    %get3A_66 = arith.constant 0 : index
    %get3A_67 = vector.load %arg1[%get3A_64, %get3A_65, %get3A_66] : memref<16x16x128xf32, #tpu.memory_space<vmem>>, vector<1x16x128xf32>
    %get3A_68 = vector.shape_cast %get3A_67 : vector<1x16x128xf32> to vector<16x128xf32>
    %dot_general3A_69 = arith.constant dense<0.000000e+00> : vector<256x128xf32>
    %dot_general3A_70 = tpu.matmul %get3A_1, %get3A_68, %dot_general3A_69 {dimension_numbers = #tpu.dot_dimension_numbers<[1], [0], [0], [1], [0, 0, 1, 1], [], []>, transpose_lhs_hint = false} : vector<256x16xf32>, vector<16x128xf32>, vector<256x128xf32> -> vector<256x128xf32>
    %get3A_71 = arith.constant 10 : index
    %get3A_72 = arith.constant 0 : index
    %get3A_73 = arith.constant 0 : index
    %get3A_74 = vector.load %arg1[%get3A_71, %get3A_72, %get3A_73] : memref<16x16x128xf32, #tpu.memory_space<vmem>>, vector<1x16x128xf32>
    %get3A_75 = vector.shape_cast %get3A_74 : vector<1x16x128xf32> to vector<16x128xf32>
    %dot_general3A_76 = arith.constant dense<0.000000e+00> : vector<256x128xf32>
    %dot_general3A_77 = tpu.matmul %get3A_1, %get3A_75, %dot_general3A_76 {dimension_numbers = #tpu.dot_dimension_numbers<[1], [0], [0], [1], [0, 0, 1, 1], [], []>, transpose_lhs_hint = false} : vector<256x16xf32>, vector<16x128xf32>, vector<256x128xf32> -> vector<256x128xf32>
    %get3A_78 = arith.constant 11 : index
    %get3A_79 = arith.constant 0 : index
    %get3A_80 = arith.constant 0 : index
    %get3A_81 = vector.load %arg1[%get3A_78, %get3A_79, %get3A_80] : memref<16x16x128xf32, #tpu.memory_space<vmem>>, vector<1x16x128xf32>
    %get3A_82 = vector.shape_cast %get3A_81 : vector<1x16x128xf32> to vector<16x128xf32>
    %dot_general3A_83 = arith.constant dense<0.000000e+00> : vector<256x128xf32>
    %dot_general3A_84 = tpu.matmul %get3A_1, %get3A_82, %dot_general3A_83 {dimension_numbers = #tpu.dot_dimension_numbers<[1], [0], [0], [1], [0, 0, 1, 1], [], []>, transpose_lhs_hint = false} : vector<256x16xf32>, vector<16x128xf32>, vector<256x128xf32> -> vector<256x128xf32>
    %get3A_85 = arith.constant 12 : index
    %get3A_86 = arith.constant 0 : index
    %get3A_87 = arith.constant 0 : index
    %get3A_88 = vector.load %arg1[%get3A_85, %get3A_86, %get3A_87] : memref<16x16x128xf32, #tpu.memory_space<vmem>>, vector<1x16x128xf32>
    %get3A_89 = vector.shape_cast %get3A_88 : vector<1x16x128xf32> to vector<16x128xf32>
    %dot_general3A_90 = arith.constant dense<0.000000e+00> : vector<256x128xf32>
    %dot_general3A_91 = tpu.matmul %get3A_1, %get3A_89, %dot_general3A_90 {dimension_numbers = #tpu.dot_dimension_numbers<[1], [0], [0], [1], [0, 0, 1, 1], [], []>, transpose_lhs_hint = false} : vector<256x16xf32>, vector<16x128xf32>, vector<256x128xf32> -> vector<256x128xf32>
    %get3A_92 = arith.constant 13 : index
    %get3A_93 = arith.constant 0 : index
    %get3A_94 = arith.constant 0 : index
    %get3A_95 = vector.load %arg1[%get3A_92, %get3A_93, %get3A_94] : memref<16x16x128xf32, #tpu.memory_space<vmem>>, vector<1x16x128xf32>
    %get3A_96 = vector.shape_cast %get3A_95 : vector<1x16x128xf32> to vector<16x128xf32>
    %dot_general3A_97 = arith.constant dense<0.000000e+00> : vector<256x128xf32>
    %dot_general3A_98 = tpu.matmul %get3A_1, %get3A_96, %dot_general3A_97 {dimension_numbers = #tpu.dot_dimension_numbers<[1], [0], [0], [1], [0, 0, 1, 1], [], []>, transpose_lhs_hint = false} : vector<256x16xf32>, vector<16x128xf32>, vector<256x128xf32> -> vector<256x128xf32>
    %get3A_99 = arith.constant 14 : index
    %get3A_100 = arith.constant 0 : index
    %get3A_101 = arith.constant 0 : index
    %get3A_102 = vector.load %arg1[%get3A_99, %get3A_100, %get3A_101] : memref<16x16x128xf32, #tpu.memory_space<vmem>>, vector<1x16x128xf32>
    %get3A_103 = vector.shape_cast %get3A_102 : vector<1x16x128xf32> to vector<16x128xf32>
    %dot_general3A_104 = arith.constant dense<0.000000e+00> : vector<256x128xf32>
    %dot_general3A_105 = tpu.matmul %get3A_1, %get3A_103, %dot_general3A_104 {dimension_numbers = #tpu.dot_dimension_numbers<[1], [0], [0], [1], [0, 0, 1, 1], [], []>, transpose_lhs_hint = false} : vector<256x16xf32>, vector<16x128xf32>, vector<256x128xf32> -> vector<256x128xf32>
    %get3A_106 = arith.constant 15 : index
    %get3A_107 = arith.constant 0 : index
    %get3A_108 = arith.constant 0 : index
    %get3A_109 = vector.load %arg1[%get3A_106, %get3A_107, %get3A_108] : memref<16x16x128xf32, #tpu.memory_space<vmem>>, vector<1x16x128xf32>
    %get3A_110 = vector.shape_cast %get3A_109 : vector<1x16x128xf32> to vector<16x128xf32>
    %dot_general3A_111 = arith.constant dense<0.000000e+00> : vector<256x128xf32>
    %dot_general3A_112 = tpu.matmul %get3A_1, %get3A_110, %dot_general3A_111 {dimension_numbers = #tpu.dot_dimension_numbers<[1], [0], [0], [1], [0, 0, 1, 1], [], []>, transpose_lhs_hint = false} : vector<256x16xf32>, vector<16x128xf32>, vector<256x128xf32> -> vector<256x128xf32>
    %stack3A = vector.shape_cast %dot_general3A_7 : vector<256x128xf32> to vector<1x256x128xf32>
    %stack3A_113 = vector.shape_cast %dot_general3A_14 : vector<256x128xf32> to vector<1x256x128xf32>
    %stack3A_114 = vector.shape_cast %dot_general3A_21 : vector<256x128xf32> to vector<1x256x128xf32>
    %stack3A_115 = vector.shape_cast %dot_general3A_28 : vector<256x128xf32> to vector<1x256x128xf32>
    %stack3A_116 = vector.shape_cast %dot_general3A_35 : vector<256x128xf32> to vector<1x256x128xf32>
    %stack3A_117 = vector.shape_cast %dot_general3A_42 : vector<256x128xf32> to vector<1x256x128xf32>
    %stack3A_118 = vector.shape_cast %dot_general3A_49 : vector<256x128xf32> to vector<1x256x128xf32>
    %stack3A_119 = vector.shape_cast %dot_general3A_56 : vector<256x128xf32> to vector<1x256x128xf32>
    %stack3A_120 = vector.shape_cast %dot_general3A_63 : vector<256x128xf32> to vector<1x256x128xf32>
    %stack3A_121 = vector.shape_cast %dot_general3A_70 : vector<256x128xf32> to vector<1x256x128xf32>
    %stack3A_122 = vector.shape_cast %dot_general3A_77 : vector<256x128xf32> to vector<1x256x128xf32>
    %stack3A_123 = vector.shape_cast %dot_general3A_84 : vector<256x128xf32> to vector<1x256x128xf32>
    %stack3A_124 = vector.shape_cast %dot_general3A_91 : vector<256x128xf32> to vector<1x256x128xf32>
    %stack3A_125 = vector.shape_cast %dot_general3A_98 : vector<256x128xf32> to vector<1x256x128xf32>
    %stack3A_126 = vector.shape_cast %dot_general3A_105 : vector<256x128xf32> to vector<1x256x128xf32>
    %stack3A_127 = vector.shape_cast %dot_general3A_112 : vector<256x128xf32> to vector<1x256x128xf32>
    %stack3A_128 = tpu.concatenate %stack3A, %stack3A_113, %stack3A_114, %stack3A_115, %stack3A_116, %stack3A_117, %stack3A_118, %stack3A_119, %stack3A_120, %stack3A_121, %stack3A_122, %stack3A_123, %stack3A_124, %stack3A_125, %stack3A_126, %stack3A_127 in 0 : vector<1x256x128xf32>, vector<1x256x128xf32>, vector<1x256x128xf32>, vector<1x256x128xf32>, vector<1x256x128xf32>, vector<1x256x128xf32>, vector<1x256x128xf32>, vector<1x256x128xf32>, vector<1x256x128xf32>, vector<1x256x128xf32>, vector<1x256x128xf32>, vector<1x256x128xf32>, vector<1x256x128xf32>, vector<1x256x128xf32>, vector<1x256x128xf32>, vector<1x256x128xf32> -> vector<16x256x128xf32>
    %get3A_129 = arith.constant 0 : index
    %get3A_130 = arith.constant 0 : index
    %get3A_131 = vector.load %arg5[%get3A_129, %get3A_130] : memref<1x128xf32, #tpu.memory_space<vmem>>, vector<1x128xf32>
    %broadcast_in_dim3A = vector.shape_cast %get3A_131 : vector<1x128xf32> to vector<1x1x128xf32>
    %add3A = vector.broadcast %broadcast_in_dim3A : vector<1x1x128xf32> to vector<16x256x128xf32>
    %add3A_132 = arith.addf %stack3A_128, %add3A : vector<16x256x128xf32>
    %logistic3A = arith.negf %add3A_132 : vector<16x256x128xf32>
    %logistic3A_133 = math.exp %logistic3A : vector<16x256x128xf32>
    %logistic3A_134 = arith.constant 1.000000e+00 : f32
    %logistic3A_135 = vector.broadcast %logistic3A_134 : f32 to vector<16x256x128xf32>
    %logistic3A_136 = arith.addf %logistic3A_135, %logistic3A_133 : vector<16x256x128xf32>
    %logistic3A_137 = arith.divf %logistic3A_135, %logistic3A_136 : vector<16x256x128xf32>
    %get3A_138 = arith.constant 0 : index
    %get3A_139 = arith.constant 0 : index
    %get3A_140 = vector.load %arg3[%get3A_138, %get3A_139] : memref<16x256xf32, #tpu.memory_space<vmem>>, vector<16x256xf32>
    %mul3A = arith.constant 1.000000e+01 : f32
    %mul3A_141 = vector.broadcast %mul3A : f32 to vector<16x256xf32>
    %mul3A_142 = arith.mulf %get3A_140, %mul3A_141 : vector<16x256xf32>
    %iota3A = tpu.iota {dimensions = array<i32: 2>} : vector<1x1x64xi32>
    %convert_element_type3A = arith.sitofp %iota3A : vector<1x1x64xi32> to vector<1x1x64xf32>
    %mul3A_143 = arith.constant 0.317460328 : f32
    %mul3A_144 = vector.broadcast %mul3A_143 : f32 to vector<1x1x64xf32>
    %mul3A_145 = arith.mulf %convert_element_type3A, %mul3A_144 : vector<1x1x64xf32>
    %broadcast_in_dim3A_146 = vector.shape_cast %mul3A_142 : vector<16x256xf32> to vector<16x256x1xf32>
    %sub3A = vector.broadcast %broadcast_in_dim3A_146 : vector<16x256x1xf32> to vector<16x256x64xf32>
    %sub3A_147 = vector.broadcast %mul3A_145 : vector<1x1x64xf32> to vector<16x256x64xf32>
    %sub3A_148 = arith.subf %sub3A, %sub3A_147 : vector<16x256x64xf32>
    %integer_pow3A = arith.mulf %sub3A_148, %sub3A_148 : vector<16x256x64xf32>
    %neg3A = arith.constant 0.000000e+00 : f32
    %neg3A_149 = vector.broadcast %neg3A : f32 to vector<16x256x64xf32>
    %neg3A_150 = arith.subf %neg3A_149, %integer_pow3A : vector<16x256x64xf32>
    %mul3A_151 = arith.constant 5.120000e+00 : f32
    %mul3A_152 = vector.broadcast %mul3A_151 : f32 to vector<16x256x64xf32>
    %mul3A_153 = arith.mulf %neg3A_150, %mul3A_152 : vector<16x256x64xf32>
    %exp3A = math.exp %mul3A_153 : vector<16x256x64xf32>
    %reshape3A = vector.shape_cast %exp3A : vector<16x256x64xf32> to vector<4096x64xf32>
    %get3A_154 = arith.constant 0 : index
    %get3A_155 = arith.constant 0 : index
    %get3A_156 = vector.load %arg6[%get3A_154, %get3A_155] : memref<64x128xf32, #tpu.memory_space<vmem>>, vector<64x128xf32>
    %dot_general3A_157 = arith.constant dense<0.000000e+00> : vector<4096x128xf32>
    %dot_general3A_158 = tpu.matmul %reshape3A, %get3A_156, %dot_general3A_157 {dimension_numbers = #tpu.dot_dimension_numbers<[1], [0], [0], [1], [0, 0, 1, 1], [], []>, transpose_lhs_hint = false} : vector<4096x64xf32>, vector<64x128xf32>, vector<4096x128xf32> -> vector<4096x128xf32>
    %get3A_159 = arith.constant 0 : index
    %get3A_160 = arith.constant 0 : index
    %get3A_161 = vector.load %arg7[%get3A_159, %get3A_160] : memref<1x128xf32, #tpu.memory_space<vmem>>, vector<1x128xf32>
    %add3A_162 = vector.broadcast %get3A_161 : vector<1x128xf32> to vector<4096x128xf32>
    %add3A_163 = arith.addf %dot_general3A_158, %add3A_162 : vector<4096x128xf32>
    %get3A_164 = arith.constant 0 : index
    %get3A_165 = arith.constant 0 : index
    %get3A_166 = arith.constant 0 : index
    %get3A_167 = vector.load %arg4[%get3A_164, %get3A_165, %get3A_166] : memref<16x256x128xf32, #tpu.memory_space<vmem>>, vector<16x256x128xf32>
    %reshape3A_168 = vector.shape_cast %add3A_163 : vector<4096x128xf32> to vector<16x256x128xf32>
    %add3A_169 = arith.addf %get3A_167, %reshape3A_168 : vector<16x256x128xf32>
    %mul3A_170 = arith.mulf %add3A_169, %logistic3A_137 : vector<16x256x128xf32>
    %swap3A = arith.constant 0 : index
    %swap3A_171 = arith.constant 0 : index
    %swap3A_172 = arith.constant 0 : index
    %swap3A_173 = vector.load %arg21[%swap3A, %swap3A_171, %swap3A_172] : memref<16x256x128xf32, #tpu.memory_space<vmem>>, vector<16x256x128xf32>
    tpu.vector_store %arg21[%swap3A, %swap3A_171, %swap3A_172], %mul3A_170 {strides = array<i32>} : memref<16x256x128xf32, #tpu.memory_space<vmem>>, vector<16x256x128xf32>,
    %reshape3A_174 = vector.shape_cast %mul3A_170 : vector<16x256x128xf32> to vector<4096x128xf32>
    %get3A_175 = arith.constant 0 : index
    %get3A_176 = arith.constant 0 : index
    %get3A_177 = vector.load %arg8[%get3A_175, %get3A_176] : memref<128x4xf32, #tpu.memory_space<vmem>>, vector<128x4xf32>
    %dot_general3A_178 = arith.constant dense<0.000000e+00> : vector<4096x4xf32>
    %dot_general3A_179 = tpu.matmul %reshape3A_174, %get3A_177, %dot_general3A_178 {dimension_numbers = #tpu.dot_dimension_numbers<[1], [0], [0], [1], [0, 0, 1, 1], [], []>, transpose_lhs_hint = false} : vector<4096x128xf32>, vector<128x4xf32>, vector<4096x4xf32> -> vector<4096x4xf32>
    %reshape3A_180 = vector.shape_cast %dot_general3A_179 : vector<4096x4xf32> to vector<16x256x4xf32>
    %swap3A_181 = arith.constant 0 : index
    %swap3A_182 = arith.constant 0 : index
    %swap3A_183 = arith.constant 0 : index
    %swap3A_184 = vector.load %arg22[%swap3A_181, %swap3A_182, %swap3A_183] : memref<16x256x4xf32, #tpu.memory_space<vmem>>, vector<16x256x4xf32>
    tpu.vector_store %arg22[%swap3A_181, %swap3A_182, %swap3A_183], %reshape3A_180 {strides = array<i32>} : memref<16x256x4xf32, #tpu.memory_space<vmem>>, vector<16x256x4xf32>,
    %get3A_185 = arith.constant 0 : index
    %get3A_186 = arith.constant 0 : index
    %get3A_187 = vector.load %arg9[%get3A_185, %get3A_186] : memref<1x128xf32, #tpu.memory_space<vmem>>, vector<1x128xf32>
    %get3A_188 = arith.constant 0 : index
    %get3A_189 = arith.constant 0 : index
    %get3A_190 = vector.load %arg10[%get3A_188, %get3A_189] : memref<1x128xf32, #tpu.memory_space<vmem>>, vector<1x128xf32>
    %reduce_sum3A = arith.constant dense<0.000000e+00> : vector<4096xf32>
    %reduce_sum3A_191 = vector.multi_reduction <add>, %reshape3A_174, %reduce_sum3A [1] : vector<4096x128xf32> to vector<4096xf32>
    %broadcast_in_dim3A_192 = vector.shape_cast %reduce_sum3A_191 : vector<4096xf32> to vector<4096x1xf32>
    %div3A = arith.constant 1.280000e+02 : f32
    %div3A_193 = vector.broadcast %div3A : f32 to vector<4096x1xf32>
    %div3A_194 = arith.divf %broadcast_in_dim3A_192, %div3A_193 : vector<4096x1xf32>
    %sub3A_195 = vector.broadcast %div3A_194 : vector<4096x1xf32> to vector<4096x128xf32>
    %sub3A_196 = arith.subf %reshape3A_174, %sub3A_195 : vector<4096x128xf32>
    %integer_pow3A_197 = arith.mulf %sub3A_196, %sub3A_196 : vector<4096x128xf32>
    %reduce_sum3A_198 = arith.constant dense<0.000000e+00> : vector<4096xf32>
    %reduce_sum3A_199 = vector.multi_reduction <add>, %integer_pow3A_197, %reduce_sum3A_198 [1] : vector<4096x128xf32> to vector<4096xf32>
    %broadcast_in_dim3A_200 = vector.shape_cast %reduce_sum3A_199 : vector<4096xf32> to vector<4096x1xf32>
    %div3A_201 = arith.constant 1.280000e+02 : f32
    %div3A_202 = vector.broadcast %div3A_201 : f32 to vector<4096x1xf32>
    %div3A_203 = arith.divf %broadcast_in_dim3A_200, %div3A_202 : vector<4096x1xf32>
    %sub3A_204 = vector.broadcast %div3A_194 : vector<4096x1xf32> to vector<4096x128xf32>
    %sub3A_205 = arith.subf %reshape3A_174, %sub3A_204 : vector<4096x128xf32>
    %add3A_206 = arith.constant 9.99999974E-6 : f32
    %add3A_207 = vector.broadcast %add3A_206 : f32 to vector<4096x1xf32>
    %add3A_208 = arith.addf %div3A_203, %add3A_207 : vector<4096x1xf32>
    %sqrt3A = math.sqrt %add3A_208 : vector<4096x1xf32>
    %div3A_209 = vector.broadcast %sqrt3A : vector<4096x1xf32> to vector<4096x128xf32>
    %div3A_210 = arith.divf %sub3A_205, %div3A_209 : vector<4096x128xf32>
    %mul3A_211 = vector.broadcast %get3A_187 : vector<1x128xf32> to vector<4096x128xf32>
    %mul3A_212 = arith.mulf %div3A_210, %mul3A_211 : vector<4096x128xf32>
    %add3A_213 = vector.broadcast %get3A_190 : vector<1x128xf32> to vector<4096x128xf32>
    %add3A_214 = arith.addf %mul3A_212, %add3A_213 : vector<4096x128xf32>
    %get3A_215 = arith.constant 0 : index
    %get3A_216 = arith.constant 0 : index
    %get3A_217 = vector.load %arg13[%get3A_215, %get3A_216] : memref<128x128xf32, #tpu.memory_space<vmem>>, vector<128x128xf32>
    %dot_general3A_218 = arith.constant dense<0.000000e+00> : vector<4096x128xf32>
    %dot_general3A_219 = tpu.matmul %add3A_214, %get3A_217, %dot_general3A_218 {dimension_numbers = #tpu.dot_dimension_numbers<[1], [0], [0], [1], [0, 0, 1, 1], [], []>, transpose_lhs_hint = false} : vector<4096x128xf32>, vector<128x128xf32>, vector<4096x128xf32> -> vector<4096x128xf32>
    %get3A_220 = arith.constant 0 : index
    %get3A_221 = arith.constant 0 : index
    %get3A_222 = vector.load %arg14[%get3A_220, %get3A_221] : memref<1x128xf32, #tpu.memory_space<vmem>>, vector<1x128xf32>
    %add3A_223 = vector.broadcast %get3A_222 : vector<1x128xf32> to vector<4096x128xf32>
    %add3A_224 = arith.addf %dot_general3A_219, %add3A_223 : vector<4096x128xf32>
    %logistic3A_225 = arith.negf %add3A_224 : vector<4096x128xf32>
    %logistic3A_226 = math.exp %logistic3A_225 : vector<4096x128xf32>
    %logistic3A_227 = arith.constant 1.000000e+00 : f32
    %logistic3A_228 = vector.broadcast %logistic3A_227 : f32 to vector<4096x128xf32>
    %logistic3A_229 = arith.addf %logistic3A_228, %logistic3A_226 : vector<4096x128xf32>
    %logistic3A_230 = arith.divf %logistic3A_228, %logistic3A_229 : vector<4096x128xf32>
    %get3A_231 = arith.constant 0 : index
    %get3A_232 = arith.constant 0 : index
    %get3A_233 = vector.load %arg11[%get3A_231, %get3A_232] : memref<128x128xf32, #tpu.memory_space<vmem>>, vector<128x128xf32>
    %dot_general3A_234 = arith.constant dense<0.000000e+00> : vector<4096x128xf32>
    %dot_general3A_235 = tpu.matmul %add3A_214, %get3A_233, %dot_general3A_234 {dimension_numbers = #tpu.dot_dimension_numbers<[1], [0], [0], [1], [0, 0, 1, 1], [], []>, transpose_lhs_hint = false} : vector<4096x128xf32>, vector<128x128xf32>, vector<4096x128xf32> -> vector<4096x128xf32>
    %get3A_236 = arith.constant 0 : index
    %get3A_237 = arith.constant 0 : index
    %get3A_238 = vector.load %arg12[%get3A_236, %get3A_237] : memref<1x128xf32, #tpu.memory_space<vmem>>, vector<1x128xf32>
    %add3A_239 = vector.broadcast %get3A_238 : vector<1x128xf32> to vector<4096x128xf32>
    %add3A_240 = arith.addf %dot_general3A_235, %add3A_239 : vector<4096x128xf32>
    %mul3A_241 = arith.mulf %logistic3A_230, %add3A_240 : vector<4096x128xf32>
    %get3A_242 = arith.constant 0 : index
    %get3A_243 = arith.constant 0 : index
    %get3A_244 = vector.load %arg17[%get3A_242, %get3A_243] : memref<128x128xf32, #tpu.memory_space<vmem>>, vector<128x128xf32>
    %dot_general3A_245 = arith.constant dense<0.000000e+00> : vector<4096x128xf32>
    %dot_general3A_246 = tpu.matmul %add3A_214, %get3A_244, %dot_general3A_245 {dimension_numbers = #tpu.dot_dimension_numbers<[1], [0], [0], [1], [0, 0, 1, 1], [], []>, transpose_lhs_hint = false} : vector<4096x128xf32>, vector<128x128xf32>, vector<4096x128xf32> -> vector<4096x128xf32>
    %get3A_247 = arith.constant 0 : index
    %get3A_248 = arith.constant 0 : index
    %get3A_249 = vector.load %arg18[%get3A_247, %get3A_248] : memref<1x128xf32, #tpu.memory_space<vmem>>, vector<1x128xf32>
    %add3A_250 = vector.broadcast %get3A_249 : vector<1x128xf32> to vector<4096x128xf32>
    %add3A_251 = arith.addf %dot_general3A_246, %add3A_250 : vector<4096x128xf32>
    %logistic3A_252 = arith.negf %add3A_251 : vector<4096x128xf32>
    %logistic3A_253 = math.exp %logistic3A_252 : vector<4096x128xf32>
    %logistic3A_254 = arith.constant 1.000000e+00 : f32
    %logistic3A_255 = vector.broadcast %logistic3A_254 : f32 to vector<4096x128xf32>
    %logistic3A_256 = arith.addf %logistic3A_255, %logistic3A_253 : vector<4096x128xf32>
    %logistic3A_257 = arith.divf %logistic3A_255, %logistic3A_256 : vector<4096x128xf32>
    %get3A_258 = arith.constant 0 : index
    %get3A_259 = arith.constant 0 : index
    %get3A_260 = vector.load %arg15[%get3A_258, %get3A_259] : memref<128x128xf32, #tpu.memory_space<vmem>>, vector<128x128xf32>
    %dot_general3A_261 = arith.constant dense<0.000000e+00> : vector<4096x128xf32>
    %dot_general3A_262 = tpu.matmul %add3A_214, %get3A_260, %dot_general3A_261 {dimension_numbers = #tpu.dot_dimension_numbers<[1], [0], [0], [1], [0, 0, 1, 1], [], []>, transpose_lhs_hint = false} : vector<4096x128xf32>, vector<128x128xf32>, vector<4096x128xf32> -> vector<4096x128xf32>
    %get3A_263 = arith.constant 0 : index
    %get3A_264 = arith.constant 0 : index
    %get3A_265 = vector.load %arg16[%get3A_263, %get3A_264] : memref<1x128xf32, #tpu.memory_space<vmem>>, vector<1x128xf32>
    %add3A_266 = vector.broadcast %get3A_265 : vector<1x128xf32> to vector<4096x128xf32>
    %add3A_267 = arith.addf %dot_general3A_262, %add3A_266 : vector<4096x128xf32>
    %mul3A_268 = arith.mulf %logistic3A_257, %add3A_267 : vector<4096x128xf32>
    %get3A_269 = arith.constant 0 : index
    %get3A_270 = arith.constant 0 : index
    %get3A_271 = vector.load %arg19[%get3A_269, %get3A_270] : memref<128x128xf32, #tpu.memory_space<vmem>>, vector<128x128xf32>
    %dot_general3A_272 = arith.constant dense<0.000000e+00> : vector<4096x128xf32>
    %dot_general3A_273 = tpu.matmul %add3A_214, %get3A_271, %dot_general3A_272 {dimension_numbers = #tpu.dot_dimension_numbers<[1], [0], [0], [1], [0, 0, 1, 1], [], []>, transpose_lhs_hint = false} : vector<4096x128xf32>, vector<128x128xf32>, vector<4096x128xf32> -> vector<4096x128xf32>
    %get3A_274 = arith.constant 0 : index
    %get3A_275 = arith.constant 0 : index
    %get3A_276 = vector.load %arg20[%get3A_274, %get3A_275] : memref<1x128xf32, #tpu.memory_space<vmem>>, vector<1x128xf32>
    %add3A_277 = vector.broadcast %get3A_276 : vector<1x128xf32> to vector<4096x128xf32>
    %add3A_278 = arith.addf %dot_general3A_273, %add3A_277 : vector<4096x128xf32>
    %logistic3A_279 = arith.negf %add3A_278 : vector<4096x128xf32>
    %logistic3A_280 = math.exp %logistic3A_279 : vector<4096x128xf32>
    %logistic3A_281 = arith.constant 1.000000e+00 : f32
    %logistic3A_282 = vector.broadcast %logistic3A_281 : f32 to vector<4096x128xf32>
    %logistic3A_283 = arith.addf %logistic3A_282, %logistic3A_280 : vector<4096x128xf32>
    %logistic3A_284 = arith.divf %logistic3A_282, %logistic3A_283 : vector<4096x128xf32>
    %reshape3A_285 = vector.shape_cast %mul3A_241 : vector<4096x128xf32> to vector<16x256x128xf32>
    %swap3A_286 = arith.constant 0 : index
    %swap3A_287 = arith.constant 0 : index
    %swap3A_288 = arith.constant 0 : index
    %swap3A_289 = vector.load %arg23[%swap3A_286, %swap3A_287, %swap3A_288] : memref<16x256x128xf32, #tpu.memory_space<vmem>>, vector<16x256x128xf32>
    tpu.vector_store %arg23[%swap3A_286, %swap3A_287, %swap3A_288], %reshape3A_285 {strides = array<i32>} : memref<16x256x128xf32, #tpu.memory_space<vmem>>, vector<16x256x128xf32>,
    %reshape3A_290 = vector.shape_cast %mul3A_268 : vector<4096x128xf32> to vector<16x256x128xf32>
    %swap3A_291 = arith.constant 0 : index
    %swap3A_292 = arith.constant 0 : index
    %swap3A_293 = arith.constant 0 : index
    %swap3A_294 = vector.load %arg24[%swap3A_291, %swap3A_292, %swap3A_293] : memref<16x256x128xf32, #tpu.memory_space<vmem>>, vector<16x256x128xf32>
    tpu.vector_store %arg24[%swap3A_291, %swap3A_292, %swap3A_293], %reshape3A_290 {strides = array<i32>} : memref<16x256x128xf32, #tpu.memory_space<vmem>>, vector<16x256x128xf32>,
    %reshape3A_295 = vector.shape_cast %logistic3A_284 : vector<4096x128xf32> to vector<16x256x128xf32>
    %swap3A_296 = arith.constant 0 : index
    %swap3A_297 = arith.constant 0 : index
    %swap3A_298 = arith.constant 0 : index
    %swap3A_299 = vector.load %arg25[%swap3A_296, %swap3A_297, %swap3A_298] : memref<16x256x128xf32, #tpu.memory_space<vmem>>, vector<16x256x128xf32>
    tpu.vector_store %arg25[%swap3A_296, %swap3A_297, %swap3A_298], %reshape3A_295 {strides = array<i32>} : memref<16x256x128xf32, #tpu.memory_space<vmem>>, vector<16x256x128xf32>,
    return
  }
  func.func @transform_0(%arg0: i32) -> (i32, i32, i32) {
    %c0_i32 = arith.constant 0 : i32
    %c0_i32_0 = arith.constant 0 : i32
    %c0_i32_1 = arith.constant 0 : i32
    return %arg0, %c0_i32, %c0_i32_0 : i32, i32, i32
  }
  func.func @transform_1(%arg0: i32) -> (i32, i32) {
    %c0_i32 = arith.constant 0 : i32
    %c0_i32_0 = arith.constant 0 : i32
    %c0_i32_1 = arith.constant 0 : i32
    return %c0_i32, %c0_i32_0 : i32, i32
  }
  func.func @transform_2(%arg0: i32) -> (i32, i32) {
    %c0_i32 = arith.constant 0 : i32
    %c0_i32_0 = arith.constant 0 : i32
    return %arg0, %c0_i32 : i32, i32
  }
  func.func @transform_3(%arg0: i32) -> (i32, i32, i32) {
    %c0_i32 = arith.constant 0 : i32
    %c0_i32_0 = arith.constant 0 : i32
    %c0_i32_1 = arith.constant 0 : i32
    return %arg0, %c0_i32, %c0_i32_0 : i32, i32, i32
  }
  func.func @transform_4(%arg0: i32) -> (i32, i32) {
    %c0_i32 = arith.constant 0 : i32
    %c0_i32_0 = arith.constant 0 : i32
    %c0_i32_1 = arith.constant 0 : i32
    return %c0_i32, %c0_i32_0 : i32, i32
  }
  func.func @transform_5(%arg0: i32) -> (i32, i32) {
    %c0_i32 = arith.constant 0 : i32
    %c0_i32_0 = arith.constant 0 : i32
    %c0_i32_1 = arith.constant 0 : i32
    return %c0_i32, %c0_i32_0 : i32, i32
  }
  func.func @transform_6(%arg0: i32) -> (i32, i32) {
    %c0_i32 = arith.constant 0 : i32
    %c0_i32_0 = arith.constant 0 : i32
    %c0_i32_1 = arith.constant 0 : i32
    return %c0_i32, %c0_i32_0 : i32, i32
  }
  func.func @transform_7(%arg0: i32) -> (i32, i32) {
    %c0_i32 = arith.constant 0 : i32
    %c0_i32_0 = arith.constant 0 : i32
    %c0_i32_1 = arith.constant 0 : i32
    return %c0_i32, %c0_i32_0 : i32, i32
  }
  func.func @transform_8(%arg0: i32) -> (i32, i32) {
    %c0_i32 = arith.constant 0 : i32
    %c0_i32_0 = arith.constant 0 : i32
    %c0_i32_1 = arith.constant 0 : i32
    return %c0_i32, %c0_i32_0 : i32, i32
  }
  func.func @transform_9(%arg0: i32) -> (i32, i32) {
    %c0_i32 = arith.constant 0 : i32
    %c0_i32_0 = arith.constant 0 : i32
    %c0_i32_1 = arith.constant 0 : i32
    return %c0_i32, %c0_i32_0 : i32, i32
  }
  func.func @transform_10(%arg0: i32) -> (i32, i32) {
    %c0_i32 = arith.constant 0 : i32
    %c0_i32_0 = arith.constant 0 : i32
    %c0_i32_1 = arith.constant 0 : i32
    return %c0_i32, %c0_i32_0 : i32, i32
  }
  func.func @transform_11(%arg0: i32) -> (i32, i32) {
    %c0_i32 = arith.constant 0 : i32
    %c0_i32_0 = arith.constant 0 : i32
    %c0_i32_1 = arith.constant 0 : i32
    return %c0_i32, %c0_i32_0 : i32, i32
  }
  func.func @transform_12(%arg0: i32) -> (i32, i32) {
    %c0_i32 = arith.constant 0 : i32
    %c0_i32_0 = arith.constant 0 : i32
    %c0_i32_1 = arith.constant 0 : i32
    return %c0_i32, %c0_i32_0 : i32, i32
  }
  func.func @transform_13(%arg0: i32) -> (i32, i32) {
    %c0_i32 = arith.constant 0 : i32
    %c0_i32_0 = arith.constant 0 : i32
    %c0_i32_1 = arith.constant 0 : i32
    return %c0_i32, %c0_i32_0 : i32, i32
  }
  func.func @transform_14(%arg0: i32) -> (i32, i32) {
    %c0_i32 = arith.constant 0 : i32
    %c0_i32_0 = arith.constant 0 : i32
    %c0_i32_1 = arith.constant 0 : i32
    return %c0_i32, %c0_i32_0 : i32, i32
  }
  func.func @transform_15(%arg0: i32) -> (i32, i32) {
    %c0_i32 = arith.constant 0 : i32
    %c0_i32_0 = arith.constant 0 : i32
    %c0_i32_1 = arith.constant 0 : i32
    return %c0_i32, %c0_i32_0 : i32, i32
  }
  func.func @transform_16(%arg0: i32) -> (i32, i32) {
    %c0_i32 = arith.constant 0 : i32
    %c0_i32_0 = arith.constant 0 : i32
    %c0_i32_1 = arith.constant 0 : i32
    return %c0_i32, %c0_i32_0 : i32, i32
  }
  func.func @transform_17(%arg0: i32) -> (i32, i32) {
    %c0_i32 = arith.constant 0 : i32
    %c0_i32_0 = arith.constant 0 : i32
    %c0_i32_1 = arith.constant 0 : i32
    return %c0_i32, %c0_i32_0 : i32, i32
  }
  func.func @transform_18(%arg0: i32) -> (i32, i32) {
    %c0_i32 = arith.constant 0 : i32
    %c0_i32_0 = arith.constant 0 : i32
    %c0_i32_1 = arith.constant 0 : i32
    return %c0_i32, %c0_i32_0 : i32, i32
  }
  func.func @transform_19(%arg0: i32) -> (i32, i32) {
    %c0_i32 = arith.constant 0 : i32
    %c0_i32_0 = arith.constant 0 : i32
    %c0_i32_1 = arith.constant 0 : i32
    return %c0_i32, %c0_i32_0 : i32, i32
  }
  func.func @transform_20(%arg0: i32) -> (i32, i32, i32) {
    %c0_i32 = arith.constant 0 : i32
    %c0_i32_0 = arith.constant 0 : i32
    %c0_i32_1 = arith.constant 0 : i32
    return %arg0, %c0_i32, %c0_i32_0 : i32, i32, i32
  }
  func.func @transform_21(%arg0: i32) -> (i32, i32, i32) {
    %c0_i32 = arith.constant 0 : i32
    %c0_i32_0 = arith.constant 0 : i32
    %c0_i32_1 = arith.constant 0 : i32
    return %arg0, %c0_i32, %c0_i32_0 : i32, i32, i32
  }
  func.func @transform_22(%arg0: i32) -> (i32, i32, i32) {
    %c0_i32 = arith.constant 0 : i32
    %c0_i32_0 = arith.constant 0 : i32
    %c0_i32_1 = arith.constant 0 : i32
    return %arg0, %c0_i32, %c0_i32_0 : i32, i32, i32
  }
  func.func @transform_23(%arg0: i32) -> (i32, i32, i32) {
    %c0_i32 = arith.constant 0 : i32
    %c0_i32_0 = arith.constant 0 : i32
    %c0_i32_1 = arith.constant 0 : i32
    return %arg0, %c0_i32, %c0_i32_0 : i32, i32, i32
  }
  func.func @transform_24(%arg0: i32) -> (i32, i32, i32) {
    %c0_i32 = arith.constant 0 : i32
    %c0_i32_0 = arith.constant 0 : i32
    %c0_i32_1 = arith.constant 0 : i32
    return %arg0, %c0_i32, %c0_i32_0 : i32, i32, i32
  }
}

module attributes {stable_mosaic.version = 14 : i64} {
  func.func @_pre_kernel(%arg0: memref<256x384xf32, #tpu.memory_space<vmem>>, %arg1: memref<256x3xf32, #tpu.memory_space<vmem>>, %arg2: memref<3x256xf32, #tpu.memory_space<vmem>>, %arg3: memref<384x16xf32, #tpu.memory_space<vmem>>, %arg4: memref<1x16xf32, #tpu.memory_space<vmem>>, %arg5: memref<384x16xf32, #tpu.memory_space<vmem>>, %arg6: memref<1x16xf32, #tpu.memory_space<vmem>>, %arg7: memref<16x2048xf32, #tpu.memory_space<vmem>>, %arg8: memref<256x16xf32, #tpu.memory_space<vmem>>, %arg9: memref<256x2048xf32, #tpu.memory_space<vmem>>, %arg10: memref<256x256xf32, #tpu.memory_space<vmem>>, %arg11: memref<256x40xi32, #tpu.memory_space<vmem>>) attributes {dimension_semantics = [], scalar_prefetch = 0 : i64, scratch_operands = 0 : i64, tpu.core_type = #tpu.core_type<tc>} {
    %get3A = arith.constant 0 : index
    %get3A_0 = arith.constant 0 : index
    %get3A_1 = vector.load %arg0[%get3A, %get3A_0] : memref<256x384xf32, #tpu.memory_space<vmem>>, vector<256x384xf32>
    %get3A_2 = arith.constant 0 : index
    %get3A_3 = arith.constant 0 : index
    %get3A_4 = vector.load %arg3[%get3A_2, %get3A_3] : memref<384x16xf32, #tpu.memory_space<vmem>>, vector<384x16xf32>
    %dot_general3A = arith.constant dense<0.000000e+00> : vector<256x16xf32>
    %dot_general3A_5 = tpu.matmul %get3A_1, %get3A_4, %dot_general3A {dimension_numbers = #tpu.dot_dimension_numbers<[1], [0], [0], [1], [0, 0, 1, 1], [], []>, transpose_lhs_hint = false} : vector<256x384xf32>, vector<384x16xf32>, vector<256x16xf32> -> vector<256x16xf32>
    %get3A_6 = arith.constant 0 : index
    %get3A_7 = arith.constant 0 : index
    %get3A_8 = vector.load %arg4[%get3A_6, %get3A_7] : memref<1x16xf32, #tpu.memory_space<vmem>>, vector<1x16xf32>
    %add3A = vector.broadcast %get3A_8 : vector<1x16xf32> to vector<256x16xf32>
    %add3A_9 = arith.addf %dot_general3A_5, %add3A : vector<256x16xf32>
    %get3A_10 = arith.constant 0 : index
    %get3A_11 = arith.constant 0 : index
    %get3A_12 = vector.load %arg5[%get3A_10, %get3A_11] : memref<384x16xf32, #tpu.memory_space<vmem>>, vector<384x16xf32>
    %dot_general3A_13 = arith.constant dense<0.000000e+00> : vector<256x16xf32>
    %dot_general3A_14 = tpu.matmul %get3A_1, %get3A_12, %dot_general3A_13 {dimension_numbers = #tpu.dot_dimension_numbers<[1], [0], [0], [1], [0, 0, 1, 1], [], []>, transpose_lhs_hint = false} : vector<256x384xf32>, vector<384x16xf32>, vector<256x16xf32> -> vector<256x16xf32>
    %get3A_15 = arith.constant 0 : index
    %get3A_16 = arith.constant 0 : index
    %get3A_17 = vector.load %arg6[%get3A_15, %get3A_16] : memref<1x16xf32, #tpu.memory_space<vmem>>, vector<1x16xf32>
    %add3A_18 = vector.broadcast %get3A_17 : vector<1x16xf32> to vector<256x16xf32>
    %add3A_19 = arith.addf %dot_general3A_14, %add3A_18 : vector<256x16xf32>
    %swap3A = arith.constant 0 : index
    %swap3A_20 = arith.constant 0 : index
    %swap3A_21 = vector.load %arg8[%swap3A, %swap3A_20] : memref<256x16xf32, #tpu.memory_space<vmem>>, vector<256x16xf32>
    tpu.vector_store %arg8[%swap3A, %swap3A_20], %add3A_19 {strides = array<i32>} : memref<256x16xf32, #tpu.memory_space<vmem>>, vector<256x16xf32>,
    %get3A_22 = arith.constant 0 : index
    %get3A_23 = arith.constant 0 : index
    %get3A_24 = vector.load %arg7[%get3A_22, %get3A_23] : memref<16x2048xf32, #tpu.memory_space<vmem>>, vector<16x2048xf32>
    %dot_general3A_25 = arith.constant dense<0.000000e+00> : vector<256x2048xf32>
    %dot_general3A_26 = tpu.matmul %add3A_9, %get3A_24, %dot_general3A_25 {dimension_numbers = #tpu.dot_dimension_numbers<[1], [0], [0], [1], [0, 0, 1, 1], [], []>, transpose_lhs_hint = false} : vector<256x16xf32>, vector<16x2048xf32>, vector<256x2048xf32> -> vector<256x2048xf32>
    %swap3A_27 = arith.constant 0 : index
    %swap3A_28 = arith.constant 0 : index
    %swap3A_29 = vector.load %arg9[%swap3A_27, %swap3A_28] : memref<256x2048xf32, #tpu.memory_space<vmem>>, vector<256x2048xf32>
    tpu.vector_store %arg9[%swap3A_27, %swap3A_28], %dot_general3A_26 {strides = array<i32>} : memref<256x2048xf32, #tpu.memory_space<vmem>>, vector<256x2048xf32>,
    %get3A_30 = arith.constant 0 : index
    %get3A_31 = arith.constant 0 : index
    %get3A_32 = vector.load %arg1[%get3A_30, %get3A_31] : memref<256x3xf32, #tpu.memory_space<vmem>>, vector<256x3xf32>
    %get3A_33 = arith.constant 0 : index
    %get3A_34 = arith.constant 0 : index
    %get3A_35 = vector.load %arg2[%get3A_33, %get3A_34] : memref<3x256xf32, #tpu.memory_space<vmem>>, vector<3x256xf32>
    %slice3A = vector.extract_strided_slice %get3A_32 {offsets = [0, 0], sizes = [256, 1], strides = [1, 1]} : vector<256x3xf32> to vector<256x1xf32>
    %slice3A_36 = vector.extract_strided_slice %get3A_35 {offsets = [0, 0], sizes = [1, 256], strides = [1, 1]} : vector<3x256xf32> to vector<1x256xf32>
    %sub3A = vector.broadcast %slice3A : vector<256x1xf32> to vector<256x256xf32>
    %sub3A_37 = vector.broadcast %slice3A_36 : vector<1x256xf32> to vector<256x256xf32>
    %sub3A_38 = arith.subf %sub3A, %sub3A_37 : vector<256x256xf32>
    %slice3A_39 = vector.extract_strided_slice %get3A_32 {offsets = [0, 1], sizes = [256, 1], strides = [1, 1]} : vector<256x3xf32> to vector<256x1xf32>
    %slice3A_40 = vector.extract_strided_slice %get3A_35 {offsets = [1, 0], sizes = [1, 256], strides = [1, 1]} : vector<3x256xf32> to vector<1x256xf32>
    %sub3A_41 = vector.broadcast %slice3A_39 : vector<256x1xf32> to vector<256x256xf32>
    %sub3A_42 = vector.broadcast %slice3A_40 : vector<1x256xf32> to vector<256x256xf32>
    %sub3A_43 = arith.subf %sub3A_41, %sub3A_42 : vector<256x256xf32>
    %slice3A_44 = vector.extract_strided_slice %get3A_32 {offsets = [0, 2], sizes = [256, 1], strides = [1, 1]} : vector<256x3xf32> to vector<256x1xf32>
    %slice3A_45 = vector.extract_strided_slice %get3A_35 {offsets = [2, 0], sizes = [1, 256], strides = [1, 1]} : vector<3x256xf32> to vector<1x256xf32>
    %sub3A_46 = vector.broadcast %slice3A_44 : vector<256x1xf32> to vector<256x256xf32>
    %sub3A_47 = vector.broadcast %slice3A_45 : vector<1x256xf32> to vector<256x256xf32>
    %sub3A_48 = arith.subf %sub3A_46, %sub3A_47 : vector<256x256xf32>
    %mul3A = arith.mulf %sub3A_38, %sub3A_38 : vector<256x256xf32>
    %mul3A_49 = arith.mulf %sub3A_43, %sub3A_43 : vector<256x256xf32>
    %add3A_50 = arith.addf %mul3A, %mul3A_49 : vector<256x256xf32>
    %mul3A_51 = arith.mulf %sub3A_48, %sub3A_48 : vector<256x256xf32>
    %add3A_52 = arith.addf %add3A_50, %mul3A_51 : vector<256x256xf32>
    %add3A_53 = arith.constant 9.99999996E-13 : f32
    %add3A_54 = vector.broadcast %add3A_53 : f32 to vector<256x256xf32>
    %add3A_55 = arith.addf %add3A_52, %add3A_54 : vector<256x256xf32>
    %sqrt3A = math.sqrt %add3A_55 : vector<256x256xf32>
    %swap3A_56 = arith.constant 0 : index
    %swap3A_57 = arith.constant 0 : index
    %swap3A_58 = vector.load %arg10[%swap3A_56, %swap3A_57] : memref<256x256xf32, #tpu.memory_space<vmem>>, vector<256x256xf32>
    tpu.vector_store %arg10[%swap3A_56, %swap3A_57], %sqrt3A {strides = array<i32>} : memref<256x256xf32, #tpu.memory_space<vmem>>, vector<256x256xf32>,
    %iota3A = tpu.iota {dimensions = array<i32: 0>} : vector<256x256xi32>
    %iota3A_59 = tpu.iota {dimensions = array<i32: 1>} : vector<256x256xi32>
    %sub3A_60 = arith.subi %iota3A, %iota3A_59 : vector<256x256xi32>
    %abs3A = math.absi %sub3A_60 : vector<256x256xi32>
    %eq3A = arith.constant 0 : i32
    %eq3A_61 = vector.broadcast %eq3A : i32 to vector<256x256xi32>
    %eq3A_62 = arith.cmpi eq, %abs3A, %eq3A_61 : vector<256x256xi32>
    %jit3A = arith.constant 1.000000e+09 : f32
    %broadcast_in_dim3A = vector.broadcast %jit3A : f32 to vector<256x256xf32>
    %select_n3A = arith.select %eq3A_62, %broadcast_in_dim3A, %sqrt3A : vector<256x256xi1>, vector<256x256xf32>
    %ge3A = arith.constant 1 : i32
    %ge3A_63 = vector.broadcast %ge3A : i32 to vector<256x256xi32>
    %ge3A_64 = arith.cmpi sge, %abs3A, %ge3A_63 : vector<256x256xi32>
    %le3A = arith.constant 4 : i32
    %le3A_65 = vector.broadcast %le3A : i32 to vector<256x256xi32>
    %le3A_66 = arith.cmpi sle, %abs3A, %le3A_65 : vector<256x256xi32>
    %and3A = arith.andi %ge3A_64, %le3A_66 : vector<256x256xi1>
    %jit3A_67 = arith.constant 0.000000e+00 : f32
    %broadcast_in_dim3A_68 = vector.broadcast %jit3A_67 : f32 to vector<256x256xf32>
    %select_n3A_69 = arith.select %and3A, %broadcast_in_dim3A_68, %select_n3A : vector<256x256xi1>, vector<256x256xf32>
    %iota3A_70 = tpu.iota {dimensions = array<i32: 1>} : vector<256x40xi32>
    %broadcast_in_dim3A_71 = arith.constant 0 : i32
    %broadcast_in_dim3A_72 = vector.broadcast %broadcast_in_dim3A_71 : i32 to vector<256x40xi32>
    %scan3A = arith.constant 0 : i32
    %scan3A_73 = arith.constant 40 : i32
    %scan3A_74 = arith.addi %scan3A, %scan3A_73 : i32
    %scan3A_75 = arith.constant 1 : i32
    %scan3A_76:2 = scf.for %scan3A_81 = %scan3A to %scan3A_74 step %scan3A_75 iter_args(%scan3A_82 = %select_n3A_69, %scan3A_83 = %broadcast_in_dim3A_72) -> (vector<256x256xf32>, vector<256x40xi32>)  : i32 {
      %reduce_min3A = arith.constant dense<0x7F800000> : vector<256xf32>
      %reduce_min3A_84 = vector.multi_reduction <minimumf>, %scan3A_82, %reduce_min3A [1] : vector<256x256xf32> to vector<256xf32>
      %broadcast_in_dim3A_85 = vector.shape_cast %reduce_min3A_84 : vector<256xf32> to vector<256x1xf32>
      %eq3A_86 = vector.broadcast %broadcast_in_dim3A_85 : vector<256x1xf32> to vector<256x256xf32>
      %eq3A_87 = arith.cmpf oeq, %scan3A_82, %eq3A_86 : vector<256x256xf32>
      %jit3A_88 = arith.constant 1073741824 : i32
      %broadcast_in_dim3A_89 = vector.broadcast %jit3A_88 : i32 to vector<256x256xi32>
      %select_n3A_90 = arith.select %eq3A_87, %iota3A_59, %broadcast_in_dim3A_89 : vector<256x256xi1>, vector<256x256xi32>
      %reduce_min3A_91 = arith.constant dense<2147483647> : vector<256xi32>
      %reduce_min3A_92 = vector.multi_reduction <minsi>, %select_n3A_90, %reduce_min3A_91 [1] : vector<256x256xi32> to vector<256xi32>
      %broadcast_in_dim3A_93 = vector.shape_cast %reduce_min3A_92 : vector<256xi32> to vector<256x1xi32>
      %eq3A_94 = vector.broadcast %scan3A_81 : i32 to vector<256x40xi32>
      %eq3A_95 = arith.cmpi eq, %iota3A_70, %eq3A_94 : vector<256x40xi32>
      %broadcast_in_dim3A_96 = vector.shape_cast %broadcast_in_dim3A_93 : vector<256x1xi32> to vector<256x1xi32>
      %broadcast_in_dim3A_97 = vector.broadcast %broadcast_in_dim3A_96 : vector<256x1xi32> to vector<256x40xi32>
      %select_n3A_98 = arith.select %eq3A_95, %broadcast_in_dim3A_97, %scan3A_83 : vector<256x40xi1>, vector<256x40xi32>
      %eq3A_99 = vector.broadcast %broadcast_in_dim3A_93 : vector<256x1xi32> to vector<256x256xi32>
      %eq3A_100 = arith.cmpi eq, %iota3A_59, %eq3A_99 : vector<256x256xi32>
      %jit3A_101 = arith.constant 1.000000e+09 : f32
      %broadcast_in_dim3A_102 = vector.broadcast %jit3A_101 : f32 to vector<256x256xf32>
      %select_n3A_103 = arith.select %eq3A_100, %broadcast_in_dim3A_102, %scan3A_82 : vector<256x256xi1>, vector<256x256xf32>
      scf.yield %select_n3A_103, %select_n3A_98 : vector<256x256xf32>, vector<256x40xi32>
    }
    %scan3A_77 = arith.constant 40 : i32
    %swap3A_78 = arith.constant 0 : index
    %swap3A_79 = arith.constant 0 : index
    %swap3A_80 = vector.load %arg11[%swap3A_78, %swap3A_79] : memref<256x40xi32, #tpu.memory_space<vmem>>, vector<256x40xi32>
    tpu.vector_store %arg11[%swap3A_78, %swap3A_79], %scan3A_76#1 {strides = array<i32>} : memref<256x40xi32, #tpu.memory_space<vmem>>, vector<256x40xi32>,
    return
  }
}

module attributes {stable_mosaic.version = 14 : i64} {
  func.func @_tri_kernel(%arg0: i32, %arg1: memref<1x256x256xf32, #tpu.memory_space<vmem>>, %arg2: memref<1x256x256xf32, #tpu.memory_space<vmem>>, %arg3: memref<1x256x256xf32, #tpu.memory_space<vmem>>) attributes {dimension_semantics = [#tpu.dimension_semantics<arbitrary>], iteration_bounds = array<i64: 128>, scalar_prefetch = 0 : i64, scratch_operands = 0 : i64, tpu.core_type = #tpu.core_type<tc>, window_params = [{transform_indices = @transform_0, window_bounds = array<i64: 1, 256, 256>}, {transform_indices = @transform_1, window_bounds = array<i64: 1, 256, 256>}, {transform_indices = @transform_2, window_bounds = array<i64: 1, 256, 256>}]} {
    %get3A = arith.constant 0 : index
    %get3A_0 = arith.constant 0 : index
    %get3A_1 = arith.constant 0 : index
    %get3A_2 = vector.load %arg1[%get3A, %get3A_0, %get3A_1] : memref<1x256x256xf32, #tpu.memory_space<vmem>>, vector<1x256x256xf32>
    %reshape3A = vector.shape_cast %get3A_2 : vector<1x256x256xf32> to vector<256x256xf32>
    %get3A_3 = arith.constant 0 : index
    %get3A_4 = arith.constant 0 : index
    %get3A_5 = arith.constant 0 : index
    %get3A_6 = vector.load %arg2[%get3A_3, %get3A_4, %get3A_5] : memref<1x256x256xf32, #tpu.memory_space<vmem>>, vector<1x256x256xf32>
    %reshape3A_7 = vector.shape_cast %get3A_6 : vector<1x256x256xf32> to vector<256x256xf32>
    %dot_general3A = arith.constant dense<0.000000e+00> : vector<256x256xf32>
    %dot_general3A_8 = tpu.matmul %reshape3A, %reshape3A_7, %dot_general3A {dimension_numbers = #tpu.dot_dimension_numbers<[1], [1], [0], [0], [0, 0, 1, 0], [], []>, transpose_lhs_hint = false} : vector<256x256xf32>, vector<256x256xf32>, vector<256x256xf32> -> vector<256x256xf32>
    %broadcast_in_dim3A = vector.shape_cast %dot_general3A_8 : vector<256x256xf32> to vector<1x256x256xf32>
    %swap3A = arith.constant 0 : index
    %swap3A_9 = arith.constant 0 : index
    %swap3A_10 = arith.constant 0 : index
    %swap3A_11 = vector.load %arg3[%swap3A, %swap3A_9, %swap3A_10] : memref<1x256x256xf32, #tpu.memory_space<vmem>>, vector<1x256x256xf32>
    tpu.vector_store %arg3[%swap3A, %swap3A_9, %swap3A_10], %broadcast_in_dim3A {strides = array<i32>} : memref<1x256x256xf32, #tpu.memory_space<vmem>>, vector<1x256x256xf32>,
    return
  }
  func.func @transform_0(%arg0: i32) -> (i32, i32, i32) {
    %c0_i32 = arith.constant 0 : i32
    %c0_i32_0 = arith.constant 0 : i32
    %c0_i32_1 = arith.constant 0 : i32
    return %arg0, %c0_i32, %c0_i32_0 : i32, i32, i32
  }
  func.func @transform_1(%arg0: i32) -> (i32, i32, i32) {
    %c0_i32 = arith.constant 0 : i32
    %c0_i32_0 = arith.constant 0 : i32
    %c0_i32_1 = arith.constant 0 : i32
    return %arg0, %c0_i32, %c0_i32_0 : i32, i32, i32
  }
  func.func @transform_2(%arg0: i32) -> (i32, i32, i32) {
    %c0_i32 = arith.constant 0 : i32
    %c0_i32_0 = arith.constant 0 : i32
    %c0_i32_1 = arith.constant 0 : i32
    return %arg0, %c0_i32, %c0_i32_0 : i32, i32, i32
  }
}

module attributes {stable_mosaic.version = 14 : i64} {
  func.func @_stage2_kernel(%arg0: i32, %arg1: memref<16x256x128xf32, #tpu.memory_space<vmem>>, %arg2: memref<16x256x128xf32, #tpu.memory_space<vmem>>, %arg3: memref<16x256x128xf32, #tpu.memory_space<vmem>>, %arg4: memref<1x128xf32, #tpu.memory_space<vmem>>, %arg5: memref<1x128xf32, #tpu.memory_space<vmem>>, %arg6: memref<128x128xf32, #tpu.memory_space<vmem>>, %arg7: memref<1x128xf32, #tpu.memory_space<vmem>>, %arg8: memref<1x128xf32, #tpu.memory_space<vmem>>, %arg9: memref<1x128xf32, #tpu.memory_space<vmem>>, %arg10: memref<128x128xf32, #tpu.memory_space<vmem>>, %arg11: memref<1x128xf32, #tpu.memory_space<vmem>>, %arg12: memref<128x128xf32, #tpu.memory_space<vmem>>, %arg13: memref<1x128xf32, #tpu.memory_space<vmem>>, %arg14: memref<128x128xf32, #tpu.memory_space<vmem>>, %arg15: memref<1x128xf32, #tpu.memory_space<vmem>>, %arg16: memref<128x128xf32, #tpu.memory_space<vmem>>, %arg17: memref<1x128xf32, #tpu.memory_space<vmem>>, %arg18: memref<128x128xf32, #tpu.memory_space<vmem>>, %arg19: memref<1x128xf32, #tpu.memory_space<vmem>>, %arg20: memref<16x256x128xf32, #tpu.memory_space<vmem>>, %arg21: memref<16x256x128xf32, #tpu.memory_space<vmem>>, %arg22: memref<16x256x128xf32, #tpu.memory_space<vmem>>, %arg23: memref<16x256x128xf32, #tpu.memory_space<vmem>>) attributes {dimension_semantics = [#tpu.dimension_semantics<arbitrary>], iteration_bounds = array<i64: 16>, scalar_prefetch = 0 : i64, scratch_operands = 0 : i64, tpu.core_type = #tpu.core_type<tc>, window_params = [{transform_indices = @transform_0, window_bounds = array<i64: 16, 256, 128>}, {transform_indices = @transform_1, window_bounds = array<i64: 16, 256, 128>}, {transform_indices = @transform_2, window_bounds = array<i64: 16, 256, 128>}, {pipeline_mode = #tpu.pipeline_mode<synchronous>, transform_indices = @transform_3, window_bounds = array<i64: 1, 128>}, {pipeline_mode = #tpu.pipeline_mode<synchronous>, transform_indices = @transform_4, window_bounds = array<i64: 1, 128>}, {pipeline_mode = #tpu.pipeline_mode<synchronous>, transform_indices = @transform_5, window_bounds = array<i64: 128, 128>}, {pipeline_mode = #tpu.pipeline_mode<synchronous>, transform_indices = @transform_6, window_bounds = array<i64: 1, 128>}, {pipeline_mode = #tpu.pipeline_mode<synchronous>, transform_indices = @transform_7, window_bounds = array<i64: 1, 128>}, {pipeline_mode = #tpu.pipeline_mode<synchronous>, transform_indices = @transform_8, window_bounds = array<i64: 1, 128>}, {pipeline_mode = #tpu.pipeline_mode<synchronous>, transform_indices = @transform_9, window_bounds = array<i64: 128, 128>}, {pipeline_mode = #tpu.pipeline_mode<synchronous>, transform_indices = @transform_10, window_bounds = array<i64: 1, 128>}, {pipeline_mode = #tpu.pipeline_mode<synchronous>, transform_indices = @transform_11, window_bounds = array<i64: 128, 128>}, {pipeline_mode = #tpu.pipeline_mode<synchronous>, transform_indices = @transform_12, window_bounds = array<i64: 1, 128>}, {pipeline_mode = #tpu.pipeline_mode<synchronous>, transform_indices = @transform_13, window_bounds = array<i64: 128, 128>}, {pipeline_mode = #tpu.pipeline_mode<synchronous>, transform_indices = @transform_14, window_bounds = array<i64: 1, 128>}, {pipeline_mode = #tpu.pipeline_mode<synchronous>, transform_indices = @transform_15, window_bounds = array<i64: 128, 128>}, {pipeline_mode = #tpu.pipeline_mode<synchronous>, transform_indices = @transform_16, window_bounds = array<i64: 1, 128>}, {pipeline_mode = #tpu.pipeline_mode<synchronous>, transform_indices = @transform_17, window_bounds = array<i64: 128, 128>}, {pipeline_mode = #tpu.pipeline_mode<synchronous>, transform_indices = @transform_18, window_bounds = array<i64: 1, 128>}, {transform_indices = @transform_19, window_bounds = array<i64: 16, 256, 128>}, {transform_indices = @transform_20, window_bounds = array<i64: 16, 256, 128>}, {transform_indices = @transform_21, window_bounds = array<i64: 16, 256, 128>}, {transform_indices = @transform_22, window_bounds = array<i64: 16, 256, 128>}]} {
    %get3A = arith.constant 0 : index
    %get3A_0 = arith.constant 0 : index
    %get3A_1 = arith.constant 0 : index
    %get3A_2 = vector.load %arg1[%get3A, %get3A_0, %get3A_1] : memref<16x256x128xf32, #tpu.memory_space<vmem>>, vector<16x256x128xf32>
    %reshape3A = vector.shape_cast %get3A_2 : vector<16x256x128xf32> to vector<4096x128xf32>
    %get3A_3 = arith.constant 0 : index
    %get3A_4 = arith.constant 0 : index
    %get3A_5 = vector.load %arg4[%get3A_3, %get3A_4] : memref<1x128xf32, #tpu.memory_space<vmem>>, vector<1x128xf32>
    %get3A_6 = arith.constant 0 : index
    %get3A_7 = arith.constant 0 : index
    %get3A_8 = vector.load %arg5[%get3A_6, %get3A_7] : memref<1x128xf32, #tpu.memory_space<vmem>>, vector<1x128xf32>
    %reduce_sum3A = arith.constant dense<0.000000e+00> : vector<4096xf32>
    %reduce_sum3A_9 = vector.multi_reduction <add>, %reshape3A, %reduce_sum3A [1] : vector<4096x128xf32> to vector<4096xf32>
    %broadcast_in_dim3A = vector.shape_cast %reduce_sum3A_9 : vector<4096xf32> to vector<4096x1xf32>
    %div3A = arith.constant 1.280000e+02 : f32
    %div3A_10 = vector.broadcast %div3A : f32 to vector<4096x1xf32>
    %div3A_11 = arith.divf %broadcast_in_dim3A, %div3A_10 : vector<4096x1xf32>
    %sub3A = vector.broadcast %div3A_11 : vector<4096x1xf32> to vector<4096x128xf32>
    %sub3A_12 = arith.subf %reshape3A, %sub3A : vector<4096x128xf32>
    %integer_pow3A = arith.mulf %sub3A_12, %sub3A_12 : vector<4096x128xf32>
    %reduce_sum3A_13 = arith.constant dense<0.000000e+00> : vector<4096xf32>
    %reduce_sum3A_14 = vector.multi_reduction <add>, %integer_pow3A, %reduce_sum3A_13 [1] : vector<4096x128xf32> to vector<4096xf32>
    %broadcast_in_dim3A_15 = vector.shape_cast %reduce_sum3A_14 : vector<4096xf32> to vector<4096x1xf32>
    %div3A_16 = arith.constant 1.280000e+02 : f32
    %div3A_17 = vector.broadcast %div3A_16 : f32 to vector<4096x1xf32>
    %div3A_18 = arith.divf %broadcast_in_dim3A_15, %div3A_17 : vector<4096x1xf32>
    %sub3A_19 = vector.broadcast %div3A_11 : vector<4096x1xf32> to vector<4096x128xf32>
    %sub3A_20 = arith.subf %reshape3A, %sub3A_19 : vector<4096x128xf32>
    %add3A = arith.constant 9.99999974E-6 : f32
    %add3A_21 = vector.broadcast %add3A : f32 to vector<4096x1xf32>
    %add3A_22 = arith.addf %div3A_18, %add3A_21 : vector<4096x1xf32>
    %sqrt3A = math.sqrt %add3A_22 : vector<4096x1xf32>
    %div3A_23 = vector.broadcast %sqrt3A : vector<4096x1xf32> to vector<4096x128xf32>
    %div3A_24 = arith.divf %sub3A_20, %div3A_23 : vector<4096x128xf32>
    %mul3A = vector.broadcast %get3A_5 : vector<1x128xf32> to vector<4096x128xf32>
    %mul3A_25 = arith.mulf %div3A_24, %mul3A : vector<4096x128xf32>
    %add3A_26 = vector.broadcast %get3A_8 : vector<1x128xf32> to vector<4096x128xf32>
    %add3A_27 = arith.addf %mul3A_25, %add3A_26 : vector<4096x128xf32>
    %get3A_28 = arith.constant 0 : index
    %get3A_29 = arith.constant 0 : index
    %get3A_30 = arith.constant 0 : index
    %get3A_31 = vector.load %arg3[%get3A_28, %get3A_29, %get3A_30] : memref<16x256x128xf32, #tpu.memory_space<vmem>>, vector<16x256x128xf32>
    %reshape3A_32 = vector.shape_cast %get3A_31 : vector<16x256x128xf32> to vector<4096x128xf32>
    %get3A_33 = arith.constant 0 : index
    %get3A_34 = arith.constant 0 : index
    %get3A_35 = vector.load %arg6[%get3A_33, %get3A_34] : memref<128x128xf32, #tpu.memory_space<vmem>>, vector<128x128xf32>
    %dot_general3A = arith.constant dense<0.000000e+00> : vector<4096x128xf32>
    %dot_general3A_36 = tpu.matmul %add3A_27, %get3A_35, %dot_general3A {dimension_numbers = #tpu.dot_dimension_numbers<[1], [0], [0], [1], [0, 0, 1, 1], [], []>, transpose_lhs_hint = false} : vector<4096x128xf32>, vector<128x128xf32>, vector<4096x128xf32> -> vector<4096x128xf32>
    %get3A_37 = arith.constant 0 : index
    %get3A_38 = arith.constant 0 : index
    %get3A_39 = vector.load %arg7[%get3A_37, %get3A_38] : memref<1x128xf32, #tpu.memory_space<vmem>>, vector<1x128xf32>
    %add3A_40 = vector.broadcast %get3A_39 : vector<1x128xf32> to vector<4096x128xf32>
    %add3A_41 = arith.addf %dot_general3A_36, %add3A_40 : vector<4096x128xf32>
    %mul3A_42 = arith.mulf %reshape3A_32, %add3A_41 : vector<4096x128xf32>
    %get3A_43 = arith.constant 0 : index
    %get3A_44 = arith.constant 0 : index
    %get3A_45 = arith.constant 0 : index
    %get3A_46 = vector.load %arg2[%get3A_43, %get3A_44, %get3A_45] : memref<16x256x128xf32, #tpu.memory_space<vmem>>, vector<16x256x128xf32>
    %reshape3A_47 = vector.shape_cast %mul3A_42 : vector<4096x128xf32> to vector<16x256x128xf32>
    %add3A_48 = arith.addf %get3A_46, %reshape3A_47 : vector<16x256x128xf32>
    %swap3A = arith.constant 0 : index
    %swap3A_49 = arith.constant 0 : index
    %swap3A_50 = arith.constant 0 : index
    %swap3A_51 = vector.load %arg20[%swap3A, %swap3A_49, %swap3A_50] : memref<16x256x128xf32, #tpu.memory_space<vmem>>, vector<16x256x128xf32>
    tpu.vector_store %arg20[%swap3A, %swap3A_49, %swap3A_50], %add3A_48 {strides = array<i32>} : memref<16x256x128xf32, #tpu.memory_space<vmem>>, vector<16x256x128xf32>,
    %reshape3A_52 = vector.shape_cast %add3A_48 : vector<16x256x128xf32> to vector<4096x128xf32>
    %get3A_53 = arith.constant 0 : index
    %get3A_54 = arith.constant 0 : index
    %get3A_55 = vector.load %arg8[%get3A_53, %get3A_54] : memref<1x128xf32, #tpu.memory_space<vmem>>, vector<1x128xf32>
    %get3A_56 = arith.constant 0 : index
    %get3A_57 = arith.constant 0 : index
    %get3A_58 = vector.load %arg9[%get3A_56, %get3A_57] : memref<1x128xf32, #tpu.memory_space<vmem>>, vector<1x128xf32>
    %reduce_sum3A_59 = arith.constant dense<0.000000e+00> : vector<4096xf32>
    %reduce_sum3A_60 = vector.multi_reduction <add>, %reshape3A_52, %reduce_sum3A_59 [1] : vector<4096x128xf32> to vector<4096xf32>
    %broadcast_in_dim3A_61 = vector.shape_cast %reduce_sum3A_60 : vector<4096xf32> to vector<4096x1xf32>
    %div3A_62 = arith.constant 1.280000e+02 : f32
    %div3A_63 = vector.broadcast %div3A_62 : f32 to vector<4096x1xf32>
    %div3A_64 = arith.divf %broadcast_in_dim3A_61, %div3A_63 : vector<4096x1xf32>
    %sub3A_65 = vector.broadcast %div3A_64 : vector<4096x1xf32> to vector<4096x128xf32>
    %sub3A_66 = arith.subf %reshape3A_52, %sub3A_65 : vector<4096x128xf32>
    %integer_pow3A_67 = arith.mulf %sub3A_66, %sub3A_66 : vector<4096x128xf32>
    %reduce_sum3A_68 = arith.constant dense<0.000000e+00> : vector<4096xf32>
    %reduce_sum3A_69 = vector.multi_reduction <add>, %integer_pow3A_67, %reduce_sum3A_68 [1] : vector<4096x128xf32> to vector<4096xf32>
    %broadcast_in_dim3A_70 = vector.shape_cast %reduce_sum3A_69 : vector<4096xf32> to vector<4096x1xf32>
    %div3A_71 = arith.constant 1.280000e+02 : f32
    %div3A_72 = vector.broadcast %div3A_71 : f32 to vector<4096x1xf32>
    %div3A_73 = arith.divf %broadcast_in_dim3A_70, %div3A_72 : vector<4096x1xf32>
    %sub3A_74 = vector.broadcast %div3A_64 : vector<4096x1xf32> to vector<4096x128xf32>
    %sub3A_75 = arith.subf %reshape3A_52, %sub3A_74 : vector<4096x128xf32>
    %add3A_76 = arith.constant 9.99999974E-6 : f32
    %add3A_77 = vector.broadcast %add3A_76 : f32 to vector<4096x1xf32>
    %add3A_78 = arith.addf %div3A_73, %add3A_77 : vector<4096x1xf32>
    %sqrt3A_79 = math.sqrt %add3A_78 : vector<4096x1xf32>
    %div3A_80 = vector.broadcast %sqrt3A_79 : vector<4096x1xf32> to vector<4096x128xf32>
    %div3A_81 = arith.divf %sub3A_75, %div3A_80 : vector<4096x128xf32>
    %mul3A_82 = vector.broadcast %get3A_55 : vector<1x128xf32> to vector<4096x128xf32>
    %mul3A_83 = arith.mulf %div3A_81, %mul3A_82 : vector<4096x128xf32>
    %add3A_84 = vector.broadcast %get3A_58 : vector<1x128xf32> to vector<4096x128xf32>
    %add3A_85 = arith.addf %mul3A_83, %add3A_84 : vector<4096x128xf32>
    %get3A_86 = arith.constant 0 : index
    %get3A_87 = arith.constant 0 : index
    %get3A_88 = vector.load %arg12[%get3A_86, %get3A_87] : memref<128x128xf32, #tpu.memory_space<vmem>>, vector<128x128xf32>
    %dot_general3A_89 = arith.constant dense<0.000000e+00> : vector<4096x128xf32>
    %dot_general3A_90 = tpu.matmul %add3A_85, %get3A_88, %dot_general3A_89 {dimension_numbers = #tpu.dot_dimension_numbers<[1], [0], [0], [1], [0, 0, 1, 1], [], []>, transpose_lhs_hint = false} : vector<4096x128xf32>, vector<128x128xf32>, vector<4096x128xf32> -> vector<4096x128xf32>
    %get3A_91 = arith.constant 0 : index
    %get3A_92 = arith.constant 0 : index
    %get3A_93 = vector.load %arg13[%get3A_91, %get3A_92] : memref<1x128xf32, #tpu.memory_space<vmem>>, vector<1x128xf32>
    %add3A_94 = vector.broadcast %get3A_93 : vector<1x128xf32> to vector<4096x128xf32>
    %add3A_95 = arith.addf %dot_general3A_90, %add3A_94 : vector<4096x128xf32>
    %logistic3A = arith.negf %add3A_95 : vector<4096x128xf32>
    %logistic3A_96 = math.exp %logistic3A : vector<4096x128xf32>
    %logistic3A_97 = arith.constant 1.000000e+00 : f32
    %logistic3A_98 = vector.broadcast %logistic3A_97 : f32 to vector<4096x128xf32>
    %logistic3A_99 = arith.addf %logistic3A_98, %logistic3A_96 : vector<4096x128xf32>
    %logistic3A_100 = arith.divf %logistic3A_98, %logistic3A_99 : vector<4096x128xf32>
    %get3A_101 = arith.constant 0 : index
    %get3A_102 = arith.constant 0 : index
    %get3A_103 = vector.load %arg10[%get3A_101, %get3A_102] : memref<128x128xf32, #tpu.memory_space<vmem>>, vector<128x128xf32>
    %dot_general3A_104 = arith.constant dense<0.000000e+00> : vector<4096x128xf32>
    %dot_general3A_105 = tpu.matmul %add3A_85, %get3A_103, %dot_general3A_104 {dimension_numbers = #tpu.dot_dimension_numbers<[1], [0], [0], [1], [0, 0, 1, 1], [], []>, transpose_lhs_hint = false} : vector<4096x128xf32>, vector<128x128xf32>, vector<4096x128xf32> -> vector<4096x128xf32>
    %get3A_106 = arith.constant 0 : index
    %get3A_107 = arith.constant 0 : index
    %get3A_108 = vector.load %arg11[%get3A_106, %get3A_107] : memref<1x128xf32, #tpu.memory_space<vmem>>, vector<1x128xf32>
    %add3A_109 = vector.broadcast %get3A_108 : vector<1x128xf32> to vector<4096x128xf32>
    %add3A_110 = arith.addf %dot_general3A_105, %add3A_109 : vector<4096x128xf32>
    %mul3A_111 = arith.mulf %logistic3A_100, %add3A_110 : vector<4096x128xf32>
    %get3A_112 = arith.constant 0 : index
    %get3A_113 = arith.constant 0 : index
    %get3A_114 = vector.load %arg16[%get3A_112, %get3A_113] : memref<128x128xf32, #tpu.memory_space<vmem>>, vector<128x128xf32>
    %dot_general3A_115 = arith.constant dense<0.000000e+00> : vector<4096x128xf32>
    %dot_general3A_116 = tpu.matmul %add3A_85, %get3A_114, %dot_general3A_115 {dimension_numbers = #tpu.dot_dimension_numbers<[1], [0], [0], [1], [0, 0, 1, 1], [], []>, transpose_lhs_hint = false} : vector<4096x128xf32>, vector<128x128xf32>, vector<4096x128xf32> -> vector<4096x128xf32>
    %get3A_117 = arith.constant 0 : index
    %get3A_118 = arith.constant 0 : index
    %get3A_119 = vector.load %arg17[%get3A_117, %get3A_118] : memref<1x128xf32, #tpu.memory_space<vmem>>, vector<1x128xf32>
    %add3A_120 = vector.broadcast %get3A_119 : vector<1x128xf32> to vector<4096x128xf32>
    %add3A_121 = arith.addf %dot_general3A_116, %add3A_120 : vector<4096x128xf32>
    %logistic3A_122 = arith.negf %add3A_121 : vector<4096x128xf32>
    %logistic3A_123 = math.exp %logistic3A_122 : vector<4096x128xf32>
    %logistic3A_124 = arith.constant 1.000000e+00 : f32
    %logistic3A_125 = vector.broadcast %logistic3A_124 : f32 to vector<4096x128xf32>
    %logistic3A_126 = arith.addf %logistic3A_125, %logistic3A_123 : vector<4096x128xf32>
    %logistic3A_127 = arith.divf %logistic3A_125, %logistic3A_126 : vector<4096x128xf32>
    %get3A_128 = arith.constant 0 : index
    %get3A_129 = arith.constant 0 : index
    %get3A_130 = vector.load %arg14[%get3A_128, %get3A_129] : memref<128x128xf32, #tpu.memory_space<vmem>>, vector<128x128xf32>
    %dot_general3A_131 = arith.constant dense<0.000000e+00> : vector<4096x128xf32>
    %dot_general3A_132 = tpu.matmul %add3A_85, %get3A_130, %dot_general3A_131 {dimension_numbers = #tpu.dot_dimension_numbers<[1], [0], [0], [1], [0, 0, 1, 1], [], []>, transpose_lhs_hint = false} : vector<4096x128xf32>, vector<128x128xf32>, vector<4096x128xf32> -> vector<4096x128xf32>
    %get3A_133 = arith.constant 0 : index
    %get3A_134 = arith.constant 0 : index
    %get3A_135 = vector.load %arg15[%get3A_133, %get3A_134] : memref<1x128xf32, #tpu.memory_space<vmem>>, vector<1x128xf32>
    %add3A_136 = vector.broadcast %get3A_135 : vector<1x128xf32> to vector<4096x128xf32>
    %add3A_137 = arith.addf %dot_general3A_132, %add3A_136 : vector<4096x128xf32>
    %mul3A_138 = arith.mulf %logistic3A_127, %add3A_137 : vector<4096x128xf32>
    %get3A_139 = arith.constant 0 : index
    %get3A_140 = arith.constant 0 : index
    %get3A_141 = vector.load %arg18[%get3A_139, %get3A_140] : memref<128x128xf32, #tpu.memory_space<vmem>>, vector<128x128xf32>
    %dot_general3A_142 = arith.constant dense<0.000000e+00> : vector<4096x128xf32>
    %dot_general3A_143 = tpu.matmul %add3A_85, %get3A_141, %dot_general3A_142 {dimension_numbers = #tpu.dot_dimension_numbers<[1], [0], [0], [1], [0, 0, 1, 1], [], []>, transpose_lhs_hint = false} : vector<4096x128xf32>, vector<128x128xf32>, vector<4096x128xf32> -> vector<4096x128xf32>
    %get3A_144 = arith.constant 0 : index
    %get3A_145 = arith.constant 0 : index
    %get3A_146 = vector.load %arg19[%get3A_144, %get3A_145] : memref<1x128xf32, #tpu.memory_space<vmem>>, vector<1x128xf32>
    %add3A_147 = vector.broadcast %get3A_146 : vector<1x128xf32> to vector<4096x128xf32>
    %add3A_148 = arith.addf %dot_general3A_143, %add3A_147 : vector<4096x128xf32>
    %logistic3A_149 = arith.negf %add3A_148 : vector<4096x128xf32>
    %logistic3A_150 = math.exp %logistic3A_149 : vector<4096x128xf32>
    %logistic3A_151 = arith.constant 1.000000e+00 : f32
    %logistic3A_152 = vector.broadcast %logistic3A_151 : f32 to vector<4096x128xf32>
    %logistic3A_153 = arith.addf %logistic3A_152, %logistic3A_150 : vector<4096x128xf32>
    %logistic3A_154 = arith.divf %logistic3A_152, %logistic3A_153 : vector<4096x128xf32>
    %reshape3A_155 = vector.shape_cast %mul3A_111 : vector<4096x128xf32> to vector<16x256x128xf32>
    %swap3A_156 = arith.constant 0 : index
    %swap3A_157 = arith.constant 0 : index
    %swap3A_158 = arith.constant 0 : index
    %swap3A_159 = vector.load %arg21[%swap3A_156, %swap3A_157, %swap3A_158] : memref<16x256x128xf32, #tpu.memory_space<vmem>>, vector<16x256x128xf32>
    tpu.vector_store %arg21[%swap3A_156, %swap3A_157, %swap3A_158], %reshape3A_155 {strides = array<i32>} : memref<16x256x128xf32, #tpu.memory_space<vmem>>, vector<16x256x128xf32>,
    %reshape3A_160 = vector.shape_cast %mul3A_138 : vector<4096x128xf32> to vector<16x256x128xf32>
    %swap3A_161 = arith.constant 0 : index
    %swap3A_162 = arith.constant 0 : index
    %swap3A_163 = arith.constant 0 : index
    %swap3A_164 = vector.load %arg22[%swap3A_161, %swap3A_162, %swap3A_163] : memref<16x256x128xf32, #tpu.memory_space<vmem>>, vector<16x256x128xf32>
    tpu.vector_store %arg22[%swap3A_161, %swap3A_162, %swap3A_163], %reshape3A_160 {strides = array<i32>} : memref<16x256x128xf32, #tpu.memory_space<vmem>>, vector<16x256x128xf32>,
    %reshape3A_165 = vector.shape_cast %logistic3A_154 : vector<4096x128xf32> to vector<16x256x128xf32>
    %swap3A_166 = arith.constant 0 : index
    %swap3A_167 = arith.constant 0 : index
    %swap3A_168 = arith.constant 0 : index
    %swap3A_169 = vector.load %arg23[%swap3A_166, %swap3A_167, %swap3A_168] : memref<16x256x128xf32, #tpu.memory_space<vmem>>, vector<16x256x128xf32>
    tpu.vector_store %arg23[%swap3A_166, %swap3A_167, %swap3A_168], %reshape3A_165 {strides = array<i32>} : memref<16x256x128xf32, #tpu.memory_space<vmem>>, vector<16x256x128xf32>,
    return
  }
  func.func @transform_0(%arg0: i32) -> (i32, i32, i32) {
    %c0_i32 = arith.constant 0 : i32
    %c0_i32_0 = arith.constant 0 : i32
    %c0_i32_1 = arith.constant 0 : i32
    return %arg0, %c0_i32, %c0_i32_0 : i32, i32, i32
  }
  func.func @transform_1(%arg0: i32) -> (i32, i32, i32) {
    %c0_i32 = arith.constant 0 : i32
    %c0_i32_0 = arith.constant 0 : i32
    %c0_i32_1 = arith.constant 0 : i32
    return %arg0, %c0_i32, %c0_i32_0 : i32, i32, i32
  }
  func.func @transform_2(%arg0: i32) -> (i32, i32, i32) {
    %c0_i32 = arith.constant 0 : i32
    %c0_i32_0 = arith.constant 0 : i32
    %c0_i32_1 = arith.constant 0 : i32
    return %arg0, %c0_i32, %c0_i32_0 : i32, i32, i32
  }
  func.func @transform_3(%arg0: i32) -> (i32, i32) {
    %c0_i32 = arith.constant 0 : i32
    %c0_i32_0 = arith.constant 0 : i32
    %c0_i32_1 = arith.constant 0 : i32
    return %c0_i32, %c0_i32_0 : i32, i32
  }
  func.func @transform_4(%arg0: i32) -> (i32, i32) {
    %c0_i32 = arith.constant 0 : i32
    %c0_i32_0 = arith.constant 0 : i32
    %c0_i32_1 = arith.constant 0 : i32
    return %c0_i32, %c0_i32_0 : i32, i32
  }
  func.func @transform_5(%arg0: i32) -> (i32, i32) {
    %c0_i32 = arith.constant 0 : i32
    %c0_i32_0 = arith.constant 0 : i32
    %c0_i32_1 = arith.constant 0 : i32
    return %c0_i32, %c0_i32_0 : i32, i32
  }
  func.func @transform_6(%arg0: i32) -> (i32, i32) {
    %c0_i32 = arith.constant 0 : i32
    %c0_i32_0 = arith.constant 0 : i32
    %c0_i32_1 = arith.constant 0 : i32
    return %c0_i32, %c0_i32_0 : i32, i32
  }
  func.func @transform_7(%arg0: i32) -> (i32, i32) {
    %c0_i32 = arith.constant 0 : i32
    %c0_i32_0 = arith.constant 0 : i32
    %c0_i32_1 = arith.constant 0 : i32
    return %c0_i32, %c0_i32_0 : i32, i32
  }
  func.func @transform_8(%arg0: i32) -> (i32, i32) {
    %c0_i32 = arith.constant 0 : i32
    %c0_i32_0 = arith.constant 0 : i32
    %c0_i32_1 = arith.constant 0 : i32
    return %c0_i32, %c0_i32_0 : i32, i32
  }
  func.func @transform_9(%arg0: i32) -> (i32, i32) {
    %c0_i32 = arith.constant 0 : i32
    %c0_i32_0 = arith.constant 0 : i32
    %c0_i32_1 = arith.constant 0 : i32
    return %c0_i32, %c0_i32_0 : i32, i32
  }
  func.func @transform_10(%arg0: i32) -> (i32, i32) {
    %c0_i32 = arith.constant 0 : i32
    %c0_i32_0 = arith.constant 0 : i32
    %c0_i32_1 = arith.constant 0 : i32
    return %c0_i32, %c0_i32_0 : i32, i32
  }
  func.func @transform_11(%arg0: i32) -> (i32, i32) {
    %c0_i32 = arith.constant 0 : i32
    %c0_i32_0 = arith.constant 0 : i32
    %c0_i32_1 = arith.constant 0 : i32
    return %c0_i32, %c0_i32_0 : i32, i32
  }
  func.func @transform_12(%arg0: i32) -> (i32, i32) {
    %c0_i32 = arith.constant 0 : i32
    %c0_i32_0 = arith.constant 0 : i32
    %c0_i32_1 = arith.constant 0 : i32
    return %c0_i32, %c0_i32_0 : i32, i32
  }
  func.func @transform_13(%arg0: i32) -> (i32, i32) {
    %c0_i32 = arith.constant 0 : i32
    %c0_i32_0 = arith.constant 0 : i32
    %c0_i32_1 = arith.constant 0 : i32
    return %c0_i32, %c0_i32_0 : i32, i32
  }
  func.func @transform_14(%arg0: i32) -> (i32, i32) {
    %c0_i32 = arith.constant 0 : i32
    %c0_i32_0 = arith.constant 0 : i32
    %c0_i32_1 = arith.constant 0 : i32
    return %c0_i32, %c0_i32_0 : i32, i32
  }
  func.func @transform_15(%arg0: i32) -> (i32, i32) {
    %c0_i32 = arith.constant 0 : i32
    %c0_i32_0 = arith.constant 0 : i32
    %c0_i32_1 = arith.constant 0 : i32
    return %c0_i32, %c0_i32_0 : i32, i32
  }
  func.func @transform_16(%arg0: i32) -> (i32, i32) {
    %c0_i32 = arith.constant 0 : i32
    %c0_i32_0 = arith.constant 0 : i32
    %c0_i32_1 = arith.constant 0 : i32
    return %c0_i32, %c0_i32_0 : i32, i32
  }
  func.func @transform_17(%arg0: i32) -> (i32, i32) {
    %c0_i32 = arith.constant 0 : i32
    %c0_i32_0 = arith.constant 0 : i32
    %c0_i32_1 = arith.constant 0 : i32
    return %c0_i32, %c0_i32_0 : i32, i32
  }
  func.func @transform_18(%arg0: i32) -> (i32, i32) {
    %c0_i32 = arith.constant 0 : i32
    %c0_i32_0 = arith.constant 0 : i32
    %c0_i32_1 = arith.constant 0 : i32
    return %c0_i32, %c0_i32_0 : i32, i32
  }
  func.func @transform_19(%arg0: i32) -> (i32, i32, i32) {
    %c0_i32 = arith.constant 0 : i32
    %c0_i32_0 = arith.constant 0 : i32
    %c0_i32_1 = arith.constant 0 : i32
    return %arg0, %c0_i32, %c0_i32_0 : i32, i32, i32
  }
  func.func @transform_20(%arg0: i32) -> (i32, i32, i32) {
    %c0_i32 = arith.constant 0 : i32
    %c0_i32_0 = arith.constant 0 : i32
    %c0_i32_1 = arith.constant 0 : i32
    return %arg0, %c0_i32, %c0_i32_0 : i32, i32, i32
  }
  func.func @transform_21(%arg0: i32) -> (i32, i32, i32) {
    %c0_i32 = arith.constant 0 : i32
    %c0_i32_0 = arith.constant 0 : i32
    %c0_i32_1 = arith.constant 0 : i32
    return %arg0, %c0_i32, %c0_i32_0 : i32, i32, i32
  }
  func.func @transform_22(%arg0: i32) -> (i32, i32, i32) {
    %c0_i32 = arith.constant 0 : i32
    %c0_i32_0 = arith.constant 0 : i32
    %c0_i32_1 = arith.constant 0 : i32
    return %arg0, %c0_i32, %c0_i32_0 : i32, i32, i32
  }
}

module attributes {stable_mosaic.version = 14 : i64} {
  func.func @_tri_kernel(%arg0: i32, %arg1: memref<1x256x256xf32, #tpu.memory_space<vmem>>, %arg2: memref<1x256x256xf32, #tpu.memory_space<vmem>>, %arg3: memref<1x256x256xf32, #tpu.memory_space<vmem>>) attributes {dimension_semantics = [#tpu.dimension_semantics<arbitrary>], iteration_bounds = array<i64: 128>, scalar_prefetch = 0 : i64, scratch_operands = 0 : i64, tpu.core_type = #tpu.core_type<tc>, window_params = [{transform_indices = @transform_0, window_bounds = array<i64: 1, 256, 256>}, {transform_indices = @transform_1, window_bounds = array<i64: 1, 256, 256>}, {transform_indices = @transform_2, window_bounds = array<i64: 1, 256, 256>}]} {
    %get3A = arith.constant 0 : index
    %get3A_0 = arith.constant 0 : index
    %get3A_1 = arith.constant 0 : index
    %get3A_2 = vector.load %arg1[%get3A, %get3A_0, %get3A_1] : memref<1x256x256xf32, #tpu.memory_space<vmem>>, vector<1x256x256xf32>
    %reshape3A = vector.shape_cast %get3A_2 : vector<1x256x256xf32> to vector<256x256xf32>
    %get3A_3 = arith.constant 0 : index
    %get3A_4 = arith.constant 0 : index
    %get3A_5 = arith.constant 0 : index
    %get3A_6 = vector.load %arg2[%get3A_3, %get3A_4, %get3A_5] : memref<1x256x256xf32, #tpu.memory_space<vmem>>, vector<1x256x256xf32>
    %reshape3A_7 = vector.shape_cast %get3A_6 : vector<1x256x256xf32> to vector<256x256xf32>
    %dot_general3A = arith.constant dense<0.000000e+00> : vector<256x256xf32>
    %dot_general3A_8 = tpu.matmul %reshape3A, %reshape3A_7, %dot_general3A {dimension_numbers = #tpu.dot_dimension_numbers<[0], [0], [1], [1], [0, 1, 1, 1], [], []>, transpose_lhs_hint = false} : vector<256x256xf32>, vector<256x256xf32>, vector<256x256xf32> -> vector<256x256xf32>
    %broadcast_in_dim3A = vector.shape_cast %dot_general3A_8 : vector<256x256xf32> to vector<1x256x256xf32>
    %swap3A = arith.constant 0 : index
    %swap3A_9 = arith.constant 0 : index
    %swap3A_10 = arith.constant 0 : index
    %swap3A_11 = vector.load %arg3[%swap3A, %swap3A_9, %swap3A_10] : memref<1x256x256xf32, #tpu.memory_space<vmem>>, vector<1x256x256xf32>
    tpu.vector_store %arg3[%swap3A, %swap3A_9, %swap3A_10], %broadcast_in_dim3A {strides = array<i32>} : memref<1x256x256xf32, #tpu.memory_space<vmem>>, vector<1x256x256xf32>,
    return
  }
  func.func @transform_0(%arg0: i32) -> (i32, i32, i32) {
    %c0_i32 = arith.constant 0 : i32
    %c0_i32_0 = arith.constant 0 : i32
    %c0_i32_1 = arith.constant 0 : i32
    return %arg0, %c0_i32, %c0_i32_0 : i32, i32, i32
  }
  func.func @transform_1(%arg0: i32) -> (i32, i32, i32) {
    %c0_i32 = arith.constant 0 : i32
    %c0_i32_0 = arith.constant 0 : i32
    %c0_i32_1 = arith.constant 0 : i32
    return %arg0, %c0_i32, %c0_i32_0 : i32, i32, i32
  }
  func.func @transform_2(%arg0: i32) -> (i32, i32, i32) {
    %c0_i32 = arith.constant 0 : i32
    %c0_i32_0 = arith.constant 0 : i32
    %c0_i32_1 = arith.constant 0 : i32
    return %arg0, %c0_i32, %c0_i32_0 : i32, i32, i32
  }
}

</mosaic_0001>

<sc_bundles>
// kernel: sparse-core-data-format-call.cloned.1.call-start
scs
called_computation_lowered:
.L_overlay_start_0:
0x0: {  	s2 =	sld [smem:$0x3FD9]  }
0x1: {  	s3 =	sld [smem:$0x3FFE];
	_ =	sdelay $0x1  }
0x2: {  	s1 =	srdreg.scid  }
0x3: {  	s0 =	sand.u32 $0x1, s1  }
0x4: {  	s18 =	sshll.u32 s0, $0xA;
	s2 =	sadd.s32 s3, s2  }
0x5: {  	s2 =	sadd.s32 s2, s18  }
0x6: {  	[smem:$0x3FA0] =	sst s2  }
0x7: {  	_ = 	snop  }
0x8: {  	s2 =	sld [smem:$0x3FD0];
	(tm) =	ssettm $0x1  }
0x9: {  	s19 =	sld [smem:$0x3FFB];
	_ =	sdelay $0x3  }
0xa: {  	_ =	strace s19  }
0xb: {  	s3 =	sld [smem:$0x3FFC];
	_ =	sdelay $0x3  }
0xc: {  	_ =	strace s3  }
0xd: {  	s3 =	sld [smem:$0x3FFD];
	_ =	sdelay $0x3  }
0xe: {  	_ =	strace s3  }
0xf: {  	_ =	strace $0x8FFFFFFF  }
0x10: {  	s20 =	sld [smem:$0x3FDB];
	_ =	sdelay $0x1  }
0x11: {  	s4 =	simm.s32 $_scs_section_size  }
0x12: {  	s5 =	simm.s32 $_size__tile_overlayer_lowered;
	s6 =	simm.s32 $_tile_overlayer_lowered  }
0x13: {  	s23 =	simm.s32 $0x1BFF;
	s22 =	sshll.u32 s6, $0x1;
	s3 =	sadd.s32 s4, s20  }
0x14: {  	s7 =	simm.s32 $0x0;
	s21 =	sshll.u32 s5, $0x1;
	s5 =	sadd.s32 s22, s3  }
0x15: {  	[timem:s7], [sflag:s23] =	dma.local [hbm:s5], s21  }
0x16: {  	_ =	swait.ge [sflag:s23], s21  }
0x17: {  	s4 =	ssub.s32 $0x0, s21;
	[sflag:s23] =	ssyncset.done $0x0  }
0x18: {  	[sflag:s23] =	ssyncadd.s32 s4;
	_ =	sdelay $0x1  }
0x19: {  	s24 =	simm.s32 $0x1B8B  }
0x1a: {  	_ =	swait.ge [sflag:s24], $0x1  }
0x1b: {  	[sflag:s24] =	ssyncset.done $0x0  }
0x1c: {  	s26 =	simm.s32 $0x1B8E;
	s25 =	sld [smem:$0x3FFE];
	[sflag:s24] =	ssyncadd.s32 $0xFFFFFFFF  }
0x1d: {  	s27 =	simm.s32 $execute0_lowered;
	[smem:$0x3FD2] =	sst s26  }
0x1e: {  	s5 =	sshll.u32 s27, $0x1;
	_ =	strace $0x80000046;
	[dreg:$0x1] =	wrdreg $0xFFFFFFFF  }
0x1f: {  	s28 =	simm.s32 $_size_execute0_lowered;
	s3 =	sadd.s32 s3, s5;
	[dreg:$0x0] =	wrdreg $0x0  }
0x20: {  	s5 =	sshll.u32 s28, $0x1;
	[dreg:$0x2] =	wrdreg s3  }
0x21: {  	[dreg:$0x3] =	wrdreg s5  }
0x22: {  	[dreg:$0x4] =	wrdreg $0xC0  }
0x23: {  	_ =	task [dreg:s7], $0x5FFFF  }
0x24: {  	[dreg:$0x1] =	wrdreg $0xFFFFFFFF  }
0x25: {  	[dreg:$0x0] =	wrdreg $0x60  }
0x26: {  	[dreg:$0x2] =	wrdreg s25  }
0x27: {  	[dreg:$0x3] =	wrdreg s2  }
0x28: {  	[dreg:$0x4] =	wrdreg $0x9  }
0x29: {  	_ =	task.clear_ibuf [dreg:s7], $0x5FFFF;
	_ =	strace $0x90000046  }
0x2a: {  	s29 =	simm.s32 $0x9;
	_ =	strace $0x80000048  }
0x2b: {  	_ =	swait.ge [sflag:s29], $0x1  }
0x2c: {  	[sflag:s29] =	ssyncadd.s32 $0xFFFFFFFF  }
0x2d: {  	_ =	strace $0x90000048  }
0x2e: {  	_ =	sfence  }
0x2f: {  	s30 =	sld [smem:$0x0];
	_ =	sdelay $0x2  }
0x30: {  	s31 =	sshll.u32 s1, $0xD;
	s1 =	sshrl.u32 s1, $0x2  }
0x31: {  	s3 =	sand.u32 $0x4000, s31;
	s1 =	sadd.s32 s1, s30  }
0x32: {  	s0 =	sor.u32 s3, s0;
	s1 =	sshll.u32 s1, $0x11  }
0x33: {  	s0 =	sor.u32 s1, s0  }
0x34: {  	s0 =	sadd.s32 $0x8F2B, s0  }
0x35: {  	[sflag:s0] =	ssyncadd.remote.s32 $0x1  }
0x36: {  	_ =	sfence.sel $0xFFFF  }
0x37: {  	[dreg:$0x0] =	wrdreg $0xFFFFFFFF;
	(pc) =	sbr.abs _section_cstart, $3  }
0x38: {  	[dreg:$0x1] =	wrdreg $0xFFFFFFFF  }
0x39: {  	_ =	task.clear_ibuf [dreg:s7], $0x2FFFF;
	_ =	strace $0x9FFFFFFF  }
0x3a: {  	(tm) =	ssettm $0x7FFFFFFF  }
0x3b: {  	_ =	shalt  }
tec
execute0_lowered:
.L_overlay_start_1:
0x0: {  	(tag) =	ssettag $0x1  }
0x1: {  	s1 =	rddreg [dreg:$0x0]  }
0x2: {  	s2 =	rddreg [dreg:$0x1]  }
0x3: {  	s0 =	rddreg [dreg:$0x2];
	_ =	strace $0x80000047;
	s4 =	srdreg.scid  }
0x4: {  	s6 =	simm.s32 $0x2;
	s12 =	simm.s32 $0x0;
	p0 =	por $0x0, $0x0  }
.Ltmp0:
0x5: {  	s11 =	simm.s32 $0x0;
	s10 =	simm.s32 $0x0;
	(pc) =	sbr.rel .LBB1_1-.Ltmp0, $4  }
0x6: {  	s7 =	simm.s32 $0x0;
	s3 =	sadd.s32 $0x204E00, s1;
	s5 =	sshll.u32 s4, $0x4  }
0x7: {  	s1 =	stileid.u32;
	s4 =	simm.s32 $0x1;
	s5 =	sand.u32 $0x10, s5  }
0x8: {  	s9 =	simm.s32 $0x0;
	[sflag:s4] =	ssyncpa.u1 $0x0;
	s5 =	sor.u32 s1, s5  }
0x9: {  	[sflag:s6] =	ssyncpa.u1 $0x0;
	s6 =	simm.s32 $0x0;
	s8 =	smov.u32 s5  }
.LBB1_5:
0xa: {  	s13 =	sadd.s32 $0x80, s7  }
0xb: {  	s10 =	sadd.s32 $0x20, s8;
	s14 =	smov.u32 s8;
	p2 =	sgt.s32 s13, $0xFF  }
0xc: {  	s14 =	smov.u32 @p2 s10  }
0xd: {  	s16 =	smov.u32 s9;
	s10 =	sadd.s32 $0x80, s9;
	p3 =	sgt.s32 s14, $0xFF  }
0xe: {  	p1 =	slt.u32 s6, $0x2;
	s16 =	smov.u32 @p3 s10  }
0xf: {  	s6 =	sadd.s32 $0x1, s6;
	s13 =	simm.s32 @p2 $0x0;
	p2 =	sgt.s32 s16, $0x7F  }
0x10: {  	s16 =	simm.s32 @p2 $0x0;
	p2 =	sne.s32 s6, $0x12  }
.Ltmp1:
0x11: {  	s15 =	simm.s32 @!p1 $0x2;
	(pc) =	sbr.rel @!p2 .LBB1_6-.Ltmp1, $4  }
0x12: {  	s12 =	smov.u32 s7;
	_ =	swait.ge @!p1 [sflag:s15], $0x4000  }
0x13: {  	s11 =	smov.u32 s8;
	p0 =	por !p0, !p0;
	[sflag:s15] =	ssyncset.done @!p1 $0x0  }
0x14: {  	s7 =	smov.u32 s13;
	s14 =	smov.u32 @p3 s5;
	s10 =	smov.u32 s9  }
0x15: {  	[sflag:s15] =	ssyncadd.s32 @!p1 $0xFFFFC000;
	s8 =	smov.u32 s14;
	s9 =	smov.u32 s16  }
.LBB1_1:
0x16: {  	p1 =	sgt.u32 s6, $0xF  }
0x17: {  	s13 =	sxor.u32 @!p1 $0xFFFFFFFF, s6  }
0x18: {  	s14 =	sshll.u32 @!p1 s8, $0x8;
	s15 =	sshll.u32 @!p1 s7, $0x3;
	s16 =	sshll.u32 @!p1 s8, $0x7  }
0x19: {  	s17 =	sand.u32 @!p1 $0x78, s7;
	s14 =	sand.u32 @!p1 $0xF800, s14;
	s15 =	sand.u32 @!p1 $0xFC00, s15  }
0x1a: {  	s13 =	sshll.u32 @!p1 s13, $0xE;
	s14 =	sadd.s32 @!p1 s14, s15;
	s15 =	sand.u32 @!p1 $0x300, s16  }
0x1b: {  	s13 =	sand.u32 @!p1 $0x4000, s13;
	s14 =	sor.u32 @!p1 s15, s14;
	s15 =	sand.u32 @!p1 $0x80, s16  }
0x1c: {  	s16 =	sshll.u32 @!p1 s9, $0xD;
	s15 =	sor.u32 @!p1 s17, s15;
	s14 =	sshrl.u32 @!p1 s14, $0x3  }
0x1d: {  	s16 =	sadd.s32 @!p1 s3, s16;
	s17 =	sand.u32 @!p1 $0x7, s7;
	s15 =	sshrl.u32 @!p1 s15, $0x3  }
0x1e: {  	s14 =	sand.u32 @!p1 $0x1FE0, s14;
	s15 =	sadd.s32 @!p1 s15, s16;
	s16 =	sshll.u32 @!p1 s17, $0x12  }
0x1f: {  	s14 =	sadd.s32 @!p1 s14, s15;
	s15 =	sor.u32 @!p1 $0x80, s16;
	s16 =	simm.s32 @!p1 $0x10000  }
0x20: {  	[tilespmem:s13], [sflag:$0x1] =	stream.strided.gather @!p1 [hbm4b:s14+s15], $0x4000, s16, s15, $0x38;
	[tilespmem:$0x10100] =	vst v63  }
0x21: {  	p1 =	seq.s32 s6, $0x0  }
0x22: {  	p2 =	seq.s32 @!p1 s6, $0x11  }
0x23: {  	p1 =	por p1, p2  }
.Ltmp2:
0x24: {  	_ = 	snop;
	(pc) =	sbr.rel @p1 .LBB1_5-.Ltmp2, $1  }
0x25: {  	_ =	sdelay $0x3  }
0x26: {  	s13 =	simm.s32 $0x1  }
0x27: {  	_ =	swait.ge [sflag:s4], $0x4000;
	s13 =	simm.s32 @!p0 $0x0  }
0x28: {  	[sflag:s4] =	ssyncset.done $0x0;
	s14 =	sshll.u32 s13, $0xE  }
0x29: {  	[sflag:s4] =	ssyncadd.s32 $0xFFFFC000;
	s16 =	sor.u32 $0x40, s14  }
0x2a: {  	s13 =	smul.u32 $0x10200, s13;
	v0 =	vld [tilespmem:s16+$0x30]  }
0x2b: {  	v3 =	vld [tilespmem:s16+$0xFFFFFFD0]  }
0x2c: {  	s13 =	sshrl.u32 s13, $0x2;
	v4 =	vld [tilespmem:s16+$0xFFFFFFE0]  }
0x2d: {  	v5 =	vld [tilespmem:s16+$0xFFFFFFF0];
	s14 =	sor.u32 $0x8000, s13  }
0x2e: {  	s31 =	sand.u32 $0x1, s6;
	v1 =	vld [tilespmem:s16+$0x0];
	s15 =	sadd.s32 $0x0, s14  }
0x2f: {  	v2 =	vld [tilespmem:s16+$0x10];
	s13 =	smul.u32 $0x10200, s31;
	[tilespmem:s15+$0x3870 ss:$0x81] =	vst.msk $0xffff, v0  }
0x30: {  	[tilespmem:s15+$0x810 ss:$0x81] =	vst.msk $0xffff, v3;
	v3 =	vld [tilespmem:s16+$0x20]  }
0x31: {  	s13 =	sshrl.u32 s13, $0x2;
	v0 =	vld [tilespmem:s16+$0xFFFFFFC0];
	[tilespmem:s15+$0x1020 ss:$0x81] =	vst.msk $0xffff, v4;
	s16 =	sadd.s32 $0x80, s16  }
0x32: {  	s17 =	simm.s32 $0x4;
	s18 =	simm.s32 $0x8;
	s13 =	sor.u32 $0x8000, s13;
	[tilespmem:s15+$0x1830 ss:$0x81] =	vst.msk $0xffff, v5;
	v4 =	vld [tilespmem:s16+$0x30]  }
.LBB1_3:
0x33: {  	p1 =	sne.s32 s18, $0x1FC;
	v5 =	vld [tilespmem:s16+$0xFFFFFFD0];
	[tilespmem:s15+$0x2040 ss:$0x81] =	vst.msk $0xffff, v1  }
0x34: {  	v6 =	vld [tilespmem:s16+$0xFFFFFFE0];
	[tilespmem:s15+$0x2850 ss:$0x81] =	vst.msk $0xffff, v2  }
0x35: {  	s19 =	sshra.s32 s17, $0x2;
	s17 =	smov.u32 s18;
	v7 =	vld [tilespmem:s16+$0xFFFFFFF0];
	[tilespmem:s15+$0x3060 ss:$0x81] =	vst.msk $0xffff, v3  }
.Ltmp3:
0x36: {  	v1 =	vld [tilespmem:s16+$0x0];
	[tilespmem:s15+$0x0 ss:$0x81] =	vst.msk $0xffff, v0;
	s15 =	sadd.s32 s19, s14;
	(pc) =	sbr.rel @p1 .LBB1_3-.Ltmp3, $4  }
0x37: {  	v2 =	vld [tilespmem:s16+$0x10];
	[tilespmem:s15+$0x3870 ss:$0x81] =	vst.msk $0xffff, v4  }
0x38: {  	[tilespmem:s15+$0x810 ss:$0x81] =	vst.msk $0xffff, v5;
	v3 =	vld [tilespmem:s16+$0x20]  }
0x39: {  	v0 =	vld [tilespmem:s16+$0xFFFFFFC0];
	[tilespmem:s15+$0x1020 ss:$0x81] =	vst.msk $0xffff, v6;
	s16 =	sadd.s32 $0x80, s16  }
0x3a: {  	s18 =	sadd.s32 $0x4, s18;
	v4 =	vld [tilespmem:s16+$0x30];
	[tilespmem:s15+$0x1830 ss:$0x81] =	vst.msk $0xffff, v7  }
0x3b: {  	v5 =	vld [tilespmem:s16+$0xFFFFFFD0];
	[tilespmem:s15+$0x2040 ss:$0x81] =	vst.msk $0xffff, v1  }
0x3c: {  	v58 =	vld [tilespmem:s16+$0xFFFFFFE0];
	[tilespmem:s15+$0x2850 ss:$0x81] =	vst.msk $0xffff, v2  }
0x3d: {  	s17 =	sshra.s32 s17, $0x2;
	v59 =	vld [tilespmem:s16+$0xFFFFFFF0];
	[tilespmem:s15+$0x3060 ss:$0x81] =	vst.msk $0xffff, v3  }
0x3e: {  	v60 =	vld [tilespmem:s16+$0x0];
	s14 =	sadd.s32 s17, s14;
	[tilespmem:s15+$0x0 ss:$0x81] =	vst.msk $0xffff, v0  }
0x3f: {  	v61 =	vld [tilespmem:s16+$0x10];
	[tilespmem:s14+$0x3870 ss:$0x81] =	vst.msk $0xffff, v4  }
0x40: {  	v62 =	vld [tilespmem:s16+$0x20];
	s12 =	sshll.u32 s12, $0x7;
	s28 =	sshll.u32 s10, $0x3;
	[tilespmem:s14+$0x810 ss:$0x81] =	vst.msk $0xffff, v5  }
0x41: {  	v63 =	vld [tilespmem:s16+$0xFFFFFFC0];
	s29 =	sand.u32 $0x7C00, s12;
	s15 =	sand.u32 $0x7C00, s28;
	[tilespmem:s14+$0x1020 ss:$0x81] =	vst.msk $0xffff, v58  }
0x42: {  	s11 =	sshll.u32 s11, $0xC;
	s12 =	sand.u32 $0x380, s12;
	s15 =	sadd.s32 s15, s29;
	[tilespmem:s14+$0x1830 ss:$0x81] =	vst.msk $0xffff, v59  }
.Ltmp4:
0x43: {  	s30 =	sshrl.u32 s10, $0x3;
	[tilespmem:s14+$0x2040 ss:$0x81] =	vst.msk $0xffff, v60;
	s12 =	sor.u32 s12, s15;
	(pc) =	sbr.rel .LBB1_5-.Ltmp4, $4  }
0x44: {  	s11 =	sadd.s32 s2, s11;
	[tilespmem:s14+$0x2850 ss:$0x81] =	vst.msk $0xffff, v61;
	s15 =	sand.u32 $0xF, s30;
	s12 =	sshrl.u32 s12, $0x3  }
0x45: {  	[tilespmem:s14+$0x3060 ss:$0x81] =	vst.msk $0xffff, v62;
	s11 =	sadd.s32 s15, s11;
	s12 =	sand.u32 $0xFF0, s12  }
0x46: {  	s31 =	sand.u32 $0x7, s10;
	[tilespmem:s14+$0x0 ss:$0x81] =	vst.msk $0xffff, v63;
	s11 =	sadd.s32 s12, s11  }
0x47: {  	[hbm4b:s11+s31] =	stream.linear.scatter [tilespmem:s13], [sflag:$0x2], $0x4000, $0x20;
	[tilespmem:$0x10100] =	vst v63  }
.LBB1_6:
0x48: {  	_ =	sfence.sel $0x180000  }
0x49: {  	s2 =	simm.s32 $0x1;
	[bflag:$0x0] =	sbarrier.arrive $0xFFFF  }
0x4a: {  	s31 =	simm.s32 $0x2;
	[sflag:s2] =	ssyncpa.u1 $0x1  }
0x4b: {  	[sflag:s31] =	ssyncpa.u1 $0x1  }
0x4c: {  	p0 =	sne.s32 s1, $0x0;
	_ =	strace $0x90000047  }
0x4d: {  	s0 =	sadd.s32 @!p0 $0x100000, s0;
	[bflag:$0x2] =	sbarrier.arrive $0xFFFF  }
0x4e: {  	[sflag:s0] =	ssyncadd.tile.s32 @!p0 $0x1;
	_ =	shalt  }
.Lfunc_end1:
_tile_overlayer_lowered:
.L_overlay_start_2:
0x4f: {  	(tag) =	ssettag $0x2  }
0x50: {  	s0 =	rddreg [dreg:$0x0];
	s2 =	stileid.u32  }
0x51: {  	s1 =	rddreg [dreg:$0x1];
	p0 =	sne.s32 s2, $0x0  }
0x52: {  	s3 =	rddreg [dreg:$0x2];
	[bflag:$0x3] =	sbarrier.arrive $0xFFFF;
	s2 =	simm.s32 @!p0 $0x1C01  }
0x53: {  	[timem:s3], [sflag:s2] =	dma.local @!p0 [hbm:s0], s1  }
0x54: {  	s0 =	simm.s32 @!p0 $0x1  }
0x55: {  	_ =	swait.ge @!p0 [sflag:s0], s1  }
0x56: {  	s1 =	ssub.s32 @!p0 $0x0, s1;
	[sflag:s0] =	ssyncset.done @!p0 $0x0  }
0x57: {  	[sflag:s0] =	ssyncadd.s32 @!p0 s1  }
0x58: {  	[bflag:$0x3] =	sbarrier.arrive $0xFFFF  }
0x59: {  	_ =	shalt  }

</sc_bundles>
